<compile_context>
chip_gen: v7x
topology: tpu7x:2x2x1
jax: 0.10.2.dev20260603
libtpu: 0.0.44.dev20260713+nightly
codegen_flags: <defaults>
</compile_context>

<pallas_src>
import functools

import jax
import jax.numpy as jnp
from jax import lax
from jax.experimental import pallas as pl
from jax.experimental.pallas import tpu as pltpu
from jax.experimental.pallas import tpu_sc as plsc

DEPTH = 1000
BATCH = 16384

_NC = 2
_NS = 16
_L = 16
_NW = _NC * _NS
_BPW = BATCH // _NW
_C = 64
_NCHUNK = _BPW // _C


def _onehot_body(idx_hbm, out_hbm, idx_v, buf_v):
    wid = lax.axis_index("s") * _NC + lax.axis_index("c")
    base = wid * _BPW

    pltpu.sync_copy(idx_hbm.at[pl.ds(base, _BPW)], idx_v)

    zeros16 = jnp.zeros((_L,), jnp.float32)

    def _zero_row(r, carry):
        for k in range(DEPTH // _L):
            buf_v[r, pl.ds(k * _L, _L)] = zeros16
        buf_v[r, pl.ds(DEPTH - _L, _L)] = zeros16
        return carry

    lax.fori_loop(0, _C, _zero_row, 0)

    lanes = lax.broadcasted_iota(jnp.int32, (_L,), 0)
    ones16 = jnp.ones((_L,), jnp.float32)

    for c in range(_NCHUNK):
        for v in range(_C // _L):
            iv = idx_v[pl.ds(c * _C + v * _L, _L)]
            rows = lanes + (v * _L)
            plsc.store_scatter(buf_v, [rows, iv], ones16)
        pltpu.sync_copy(buf_v, out_hbm.at[pl.ds(base + c * _C, _C)])
        for v in range(_C // _L):
            iv = idx_v[pl.ds(c * _C + v * _L, _L)]
            rows = lanes + (v * _L)
            plsc.store_scatter(buf_v, [rows, iv], zeros16)


@jax.jit
def _onehot_sc(idx):
    mesh = plsc.VectorSubcoreMesh(core_axis_name="c", subcore_axis_name="s")
    fn = functools.partial(
        pl.kernel,
        mesh=mesh,
        out_type=jax.ShapeDtypeStruct((BATCH, DEPTH), jnp.float32),
        scratch_types=[
            pltpu.VMEM((_BPW,), jnp.int32),
            pltpu.VMEM((_C, DEPTH), jnp.float32),
        ],
        compiler_params=pltpu.CompilerParams(needs_layout_passes=False),
    )(_onehot_body)
    return fn(idx)


def kernel(X_in, ones):
    del ones
    idx = X_in.astype(jnp.int32)
    return _onehot_sc(idx)

# --- scband reference (transcript-rebuilt; emitter-appended) ---
"""Pipeline reference for scband-one-hot-16449724745022 (READ-ONLY COPY).

The authoritative reference and input builder live on the scoring server;
editing this copy changes nothing except your own understanding.
"""

import jax, jax.numpy as jnp
import numpy as np

DEPTH = 1000
BATCH = 16384

def setup_inputs(seed: int = 0) -> dict:
    key = jax.random.key(seed)
    X_in = jax.random.randint(key, (BATCH,), 0, DEPTH)
    # learned/buffer parameter: identity matrix (self.ones = torch.eye(depth))
    ones = jnp.eye(DEPTH, dtype=jnp.float32)
    return {"X_in": X_in, "ones": ones}

def reference(X_in, ones):
    # torch: self.ones.index_select(0, X_in.long())
    X_in = X_in.astype(jnp.int64)
    return jnp.take(ones, X_in, axis=0)

if __name__ == "__main__":
    import jax
    _d = setup_inputs()
    print(jax.jit(kernel)(*tuple(_d.values())))

</pallas_src>

<mosaic_0001>
#map = affine_map<(d0, d1) -> (0)>
#map1 = affine_map<(d0, d1) -> (0, 0)>
module attributes {stable_mosaic.version = 14 : i64} {
  func.func @_onehot_body(%arg0: i32, %arg1: i32, %arg2: memref<16384xi32, #tpu.memory_space<hbm>>, %arg3: memref<16384x1000xf32, #tpu.memory_space<hbm>>, %arg4: memref<512xi32, #tpu.memory_space<vmem>>, %arg5: memref<64x1000xf32, #tpu.memory_space<vmem>>) attributes {dimension_semantics = [#tpu.dimension_semantics<core_parallel>, #tpu.dimension_semantics<subcore_parallel>], iteration_bounds = array<i64: 2, 16>, scalar_prefetch = 0 : i64, scratch_operands = 2 : i64, tpu.core_type = #tpu.core_type<sc_vector_subcore>, window_params = [{transform_indices = #map}, {transform_indices = #map1}]} {
    %mul3A = arith.constant 2 : i32
    %mul3A_0 = arith.muli %arg1, %mul3A : i32
    %add3A = arith.addi %mul3A_0, %arg0 : i32
    %mul3A_1 = arith.constant 512 : i32
    %mul3A_2 = arith.muli %add3A, %mul3A_1 : i32
    "tpu.region"() ({
      %run_scoped3A = tpu.sem_alloc : memref<!tpu.dma_semaphore, #tpu.memory_space<semaphore_mem>>
      %dma_start3A = tpu.memref_slice %arg2[%mul3A_2] : memref<16384xi32, #tpu.memory_space<hbm>> -> memref<512xi32, #tpu.memory_space<hbm>>
      %dma_start3A_346 = tpu.memref_slice %arg2[%mul3A_2] : memref<16384xi32, #tpu.memory_space<hbm>> -> memref<512xi32, #tpu.memory_space<hbm>>
      tpu.enqueue_dma source(%dma_start3A_346 : memref<512xi32, #tpu.memory_space<hbm>>) target(%arg4 : memref<512xi32, #tpu.memory_space<vmem>>) target_semaphore(%run_scoped3A : memref<!tpu.dma_semaphore, #tpu.memory_space<semaphore_mem>>)
      %dma_wait3A = tpu.memref_slice %arg2[%mul3A_2] : memref<16384xi32, #tpu.memory_space<hbm>> -> memref<512xi32, #tpu.memory_space<hbm>>
      %dma_wait3A_347 = tpu.memref_slice %arg2[%mul3A_2] : memref<16384xi32, #tpu.memory_space<hbm>> -> memref<512xi32, #tpu.memory_space<hbm>>
      tpu.wait_dma2 semaphore(%run_scoped3A : memref<!tpu.dma_semaphore, #tpu.memory_space<semaphore_mem>>) src(%dma_wait3A_347 : memref<512xi32, #tpu.memory_space<hbm>>) dst(%arg4 : memref<512xi32, #tpu.memory_space<vmem>>)
      tpu.yield
    }) : () -> ()
    %broadcast_in_dim3A = arith.constant 0.000000e+00 : f32
    %broadcast_in_dim3A_3 = vector.broadcast %broadcast_in_dim3A : f32 to vector<16xf32>
    %scan3A = arith.constant 0 : i32
    %scan3A_4 = arith.constant 0 : i32
    %scan3A_5 = arith.constant 64 : i32
    %scan3A_6 = arith.addi %scan3A_4, %scan3A_5 : i32
    %scan3A_7 = arith.constant 1 : i32
    scf.for %scan3A_346 = %scan3A_4 to %scan3A_6 step %scan3A_7  : i32 {
      %swap3A = arith.index_cast %scan3A_346 : i32 to index
      %swap3A_347 = arith.constant 0 : index
      %swap3A_348 = tpu.vector_load %arg5[%swap3A, %swap3A_347] {strides = array<i32>} : memref<64x1000xf32, #tpu.memory_space<vmem>>, vector<16xf32>,
      tpu.vector_store %arg5[%swap3A, %swap3A_347], %broadcast_in_dim3A_3 {strides = array<i32>} : memref<64x1000xf32, #tpu.memory_space<vmem>>, vector<16xf32>,
      %swap3A_349 = arith.index_cast %scan3A_346 : i32 to index
      %swap3A_350 = arith.constant 16 : index
      %swap3A_351 = tpu.vector_load %arg5[%swap3A_349, %swap3A_350] {strides = array<i32>} : memref<64x1000xf32, #tpu.memory_space<vmem>>, vector<16xf32>,
      tpu.vector_store %arg5[%swap3A_349, %swap3A_350], %broadcast_in_dim3A_3 {strides = array<i32>} : memref<64x1000xf32, #tpu.memory_space<vmem>>, vector<16xf32>,
      %swap3A_352 = arith.index_cast %scan3A_346 : i32 to index
      %swap3A_353 = arith.constant 32 : index
      %swap3A_354 = tpu.vector_load %arg5[%swap3A_352, %swap3A_353] {strides = array<i32>} : memref<64x1000xf32, #tpu.memory_space<vmem>>, vector<16xf32>,
      tpu.vector_store %arg5[%swap3A_352, %swap3A_353], %broadcast_in_dim3A_3 {strides = array<i32>} : memref<64x1000xf32, #tpu.memory_space<vmem>>, vector<16xf32>,
      %swap3A_355 = arith.index_cast %scan3A_346 : i32 to index
      %swap3A_356 = arith.constant 48 : index
      %swap3A_357 = tpu.vector_load %arg5[%swap3A_355, %swap3A_356] {strides = array<i32>} : memref<64x1000xf32, #tpu.memory_space<vmem>>, vector<16xf32>,
      tpu.vector_store %arg5[%swap3A_355, %swap3A_356], %broadcast_in_dim3A_3 {strides = array<i32>} : memref<64x1000xf32, #tpu.memory_space<vmem>>, vector<16xf32>,
      %swap3A_358 = arith.index_cast %scan3A_346 : i32 to index
      %swap3A_359 = arith.constant 64 : index
      %swap3A_360 = tpu.vector_load %arg5[%swap3A_358, %swap3A_359] {strides = array<i32>} : memref<64x1000xf32, #tpu.memory_space<vmem>>, vector<16xf32>,
      tpu.vector_store %arg5[%swap3A_358, %swap3A_359], %broadcast_in_dim3A_3 {strides = array<i32>} : memref<64x1000xf32, #tpu.memory_space<vmem>>, vector<16xf32>,
      %swap3A_361 = arith.index_cast %scan3A_346 : i32 to index
      %swap3A_362 = arith.constant 80 : index
      %swap3A_363 = tpu.vector_load %arg5[%swap3A_361, %swap3A_362] {strides = array<i32>} : memref<64x1000xf32, #tpu.memory_space<vmem>>, vector<16xf32>,
      tpu.vector_store %arg5[%swap3A_361, %swap3A_362], %broadcast_in_dim3A_3 {strides = array<i32>} : memref<64x1000xf32, #tpu.memory_space<vmem>>, vector<16xf32>,
      %swap3A_364 = arith.index_cast %scan3A_346 : i32 to index
      %swap3A_365 = arith.constant 96 : index
      %swap3A_366 = tpu.vector_load %arg5[%swap3A_364, %swap3A_365] {strides = array<i32>} : memref<64x1000xf32, #tpu.memory_space<vmem>>, vector<16xf32>,
      tpu.vector_store %arg5[%swap3A_364, %swap3A_365], %broadcast_in_dim3A_3 {strides = array<i32>} : memref<64x1000xf32, #tpu.memory_space<vmem>>, vector<16xf32>,
      %swap3A_367 = arith.index_cast %scan3A_346 : i32 to index
      %swap3A_368 = arith.constant 112 : index
      %swap3A_369 = tpu.vector_load %arg5[%swap3A_367, %swap3A_368] {strides = array<i32>} : memref<64x1000xf32, #tpu.memory_space<vmem>>, vector<16xf32>,
      tpu.vector_store %arg5[%swap3A_367, %swap3A_368], %broadcast_in_dim3A_3 {strides = array<i32>} : memref<64x1000xf32, #tpu.memory_space<vmem>>, vector<16xf32>,
      %swap3A_370 = arith.index_cast %scan3A_346 : i32 to index
      %swap3A_371 = arith.constant 128 : index
      %swap3A_372 = tpu.vector_load %arg5[%swap3A_370, %swap3A_371] {strides = array<i32>} : memref<64x1000xf32, #tpu.memory_space<vmem>>, vector<16xf32>,
      tpu.vector_store %arg5[%swap3A_370, %swap3A_371], %broadcast_in_dim3A_3 {strides = array<i32>} : memref<64x1000xf32, #tpu.memory_space<vmem>>, vector<16xf32>,
      %swap3A_373 = arith.index_cast %scan3A_346 : i32 to index
      %swap3A_374 = arith.constant 144 : index
      %swap3A_375 = tpu.vector_load %arg5[%swap3A_373, %swap3A_374] {strides = array<i32>} : memref<64x1000xf32, #tpu.memory_space<vmem>>, vector<16xf32>,
      tpu.vector_store %arg5[%swap3A_373, %swap3A_374], %broadcast_in_dim3A_3 {strides = array<i32>} : memref<64x1000xf32, #tpu.memory_space<vmem>>, vector<16xf32>,
      %swap3A_376 = arith.index_cast %scan3A_346 : i32 to index
      %swap3A_377 = arith.constant 160 : index
      %swap3A_378 = tpu.vector_load %arg5[%swap3A_376, %swap3A_377] {strides = array<i32>} : memref<64x1000xf32, #tpu.memory_space<vmem>>, vector<16xf32>,
      tpu.vector_store %arg5[%swap3A_376, %swap3A_377], %broadcast_in_dim3A_3 {strides = array<i32>} : memref<64x1000xf32, #tpu.memory_space<vmem>>, vector<16xf32>,
      %swap3A_379 = arith.index_cast %scan3A_346 : i32 to index
      %swap3A_380 = arith.constant 176 : index
      %swap3A_381 = tpu.vector_load %arg5[%swap3A_379, %swap3A_380] {strides = array<i32>} : memref<64x1000xf32, #tpu.memory_space<vmem>>, vector<16xf32>,
      tpu.vector_store %arg5[%swap3A_379, %swap3A_380], %broadcast_in_dim3A_3 {strides = array<i32>} : memref<64x1000xf32, #tpu.memory_space<vmem>>, vector<16xf32>,
      %swap3A_382 = arith.index_cast %scan3A_346 : i32 to index
      %swap3A_383 = arith.constant 192 : index
      %swap3A_384 = tpu.vector_load %arg5[%swap3A_382, %swap3A_383] {strides = array<i32>} : memref<64x1000xf32, #tpu.memory_space<vmem>>, vector<16xf32>,
      tpu.vector_store %arg5[%swap3A_382, %swap3A_383], %broadcast_in_dim3A_3 {strides = array<i32>} : memref<64x1000xf32, #tpu.memory_space<vmem>>, vector<16xf32>,
      %swap3A_385 = arith.index_cast %scan3A_346 : i32 to index
      %swap3A_386 = arith.constant 208 : index
      %swap3A_387 = tpu.vector_load %arg5[%swap3A_385, %swap3A_386] {strides = array<i32>} : memref<64x1000xf32, #tpu.memory_space<vmem>>, vector<16xf32>,
      tpu.vector_store %arg5[%swap3A_385, %swap3A_386], %broadcast_in_dim3A_3 {strides = array<i32>} : memref<64x1000xf32, #tpu.memory_space<vmem>>, vector<16xf32>,
      %swap3A_388 = arith.index_cast %scan3A_346 : i32 to index
      %swap3A_389 = arith.constant 224 : index
      %swap3A_390 = tpu.vector_load %arg5[%swap3A_388, %swap3A_389] {strides = array<i32>} : memref<64x1000xf32, #tpu.memory_space<vmem>>, vector<16xf32>,
      tpu.vector_store %arg5[%swap3A_388, %swap3A_389], %broadcast_in_dim3A_3 {strides = array<i32>} : memref<64x1000xf32, #tpu.memory_space<vmem>>, vector<16xf32>,
      %swap3A_391 = arith.index_cast %scan3A_346 : i32 to index
      %swap3A_392 = arith.constant 240 : index
      %swap3A_393 = tpu.vector_load %arg5[%swap3A_391, %swap3A_392] {strides = array<i32>} : memref<64x1000xf32, #tpu.memory_space<vmem>>, vector<16xf32>,
      tpu.vector_store %arg5[%swap3A_391, %swap3A_392], %broadcast_in_dim3A_3 {strides = array<i32>} : memref<64x1000xf32, #tpu.memory_space<vmem>>, vector<16xf32>,
      %swap3A_394 = arith.index_cast %scan3A_346 : i32 to index
      %swap3A_395 = arith.constant 256 : index
      %swap3A_396 = tpu.vector_load %arg5[%swap3A_394, %swap3A_395] {strides = array<i32>} : memref<64x1000xf32, #tpu.memory_space<vmem>>, vector<16xf32>,
      tpu.vector_store %arg5[%swap3A_394, %swap3A_395], %broadcast_in_dim3A_3 {strides = array<i32>} : memref<64x1000xf32, #tpu.memory_space<vmem>>, vector<16xf32>,
      %swap3A_397 = arith.index_cast %scan3A_346 : i32 to index
      %swap3A_398 = arith.constant 272 : index
      %swap3A_399 = tpu.vector_load %arg5[%swap3A_397, %swap3A_398] {strides = array<i32>} : memref<64x1000xf32, #tpu.memory_space<vmem>>, vector<16xf32>,
      tpu.vector_store %arg5[%swap3A_397, %swap3A_398], %broadcast_in_dim3A_3 {strides = array<i32>} : memref<64x1000xf32, #tpu.memory_space<vmem>>, vector<16xf32>,
      %swap3A_400 = arith.index_cast %scan3A_346 : i32 to index
      %swap3A_401 = arith.constant 288 : index
      %swap3A_402 = tpu.vector_load %arg5[%swap3A_400, %swap3A_401] {strides = array<i32>} : memref<64x1000xf32, #tpu.memory_space<vmem>>, vector<16xf32>,
      tpu.vector_store %arg5[%swap3A_400, %swap3A_401], %broadcast_in_dim3A_3 {strides = array<i32>} : memref<64x1000xf32, #tpu.memory_space<vmem>>, vector<16xf32>,
      %swap3A_403 = arith.index_cast %scan3A_346 : i32 to index
      %swap3A_404 = arith.constant 304 : index
      %swap3A_405 = tpu.vector_load %arg5[%swap3A_403, %swap3A_404] {strides = array<i32>} : memref<64x1000xf32, #tpu.memory_space<vmem>>, vector<16xf32>,
      tpu.vector_store %arg5[%swap3A_403, %swap3A_404], %broadcast_in_dim3A_3 {strides = array<i32>} : memref<64x1000xf32, #tpu.memory_space<vmem>>, vector<16xf32>,
      %swap3A_406 = arith.index_cast %scan3A_346 : i32 to index
      %swap3A_407 = arith.constant 320 : index
      %swap3A_408 = tpu.vector_load %arg5[%swap3A_406, %swap3A_407] {strides = array<i32>} : memref<64x1000xf32, #tpu.memory_space<vmem>>, vector<16xf32>,
      tpu.vector_store %arg5[%swap3A_406, %swap3A_407], %broadcast_in_dim3A_3 {strides = array<i32>} : memref<64x1000xf32, #tpu.memory_space<vmem>>, vector<16xf32>,
      %swap3A_409 = arith.index_cast %scan3A_346 : i32 to index
      %swap3A_410 = arith.constant 336 : index
      %swap3A_411 = tpu.vector_load %arg5[%swap3A_409, %swap3A_410] {strides = array<i32>} : memref<64x1000xf32, #tpu.memory_space<vmem>>, vector<16xf32>,
      tpu.vector_store %arg5[%swap3A_409, %swap3A_410], %broadcast_in_dim3A_3 {strides = array<i32>} : memref<64x1000xf32, #tpu.memory_space<vmem>>, vector<16xf32>,
      %swap3A_412 = arith.index_cast %scan3A_346 : i32 to index
      %swap3A_413 = arith.constant 352 : index
      %swap3A_414 = tpu.vector_load %arg5[%swap3A_412, %swap3A_413] {strides = array<i32>} : memref<64x1000xf32, #tpu.memory_space<vmem>>, vector<16xf32>,
      tpu.vector_store %arg5[%swap3A_412, %swap3A_413], %broadcast_in_dim3A_3 {strides = array<i32>} : memref<64x1000xf32, #tpu.memory_space<vmem>>, vector<16xf32>,
      %swap3A_415 = arith.index_cast %scan3A_346 : i32 to index
      %swap3A_416 = arith.constant 368 : index
      %swap3A_417 = tpu.vector_load %arg5[%swap3A_415, %swap3A_416] {strides = array<i32>} : memref<64x1000xf32, #tpu.memory_space<vmem>>, vector<16xf32>,
      tpu.vector_store %arg5[%swap3A_415, %swap3A_416], %broadcast_in_dim3A_3 {strides = array<i32>} : memref<64x1000xf32, #tpu.memory_space<vmem>>, vector<16xf32>,
      %swap3A_418 = arith.index_cast %scan3A_346 : i32 to index
      %swap3A_419 = arith.constant 384 : index
      %swap3A_420 = tpu.vector_load %arg5[%swap3A_418, %swap3A_419] {strides = array<i32>} : memref<64x1000xf32, #tpu.memory_space<vmem>>, vector<16xf32>,
      tpu.vector_store %arg5[%swap3A_418, %swap3A_419], %broadcast_in_dim3A_3 {strides = array<i32>} : memref<64x1000xf32, #tpu.memory_space<vmem>>, vector<16xf32>,
      %swap3A_421 = arith.index_cast %scan3A_346 : i32 to index
      %swap3A_422 = arith.constant 400 : index
      %swap3A_423 = tpu.vector_load %arg5[%swap3A_421, %swap3A_422] {strides = array<i32>} : memref<64x1000xf32, #tpu.memory_space<vmem>>, vector<16xf32>,
      tpu.vector_store %arg5[%swap3A_421, %swap3A_422], %broadcast_in_dim3A_3 {strides = array<i32>} : memref<64x1000xf32, #tpu.memory_space<vmem>>, vector<16xf32>,
      %swap3A_424 = arith.index_cast %scan3A_346 : i32 to index
      %swap3A_425 = arith.constant 416 : index
      %swap3A_426 = tpu.vector_load %arg5[%swap3A_424, %swap3A_425] {strides = array<i32>} : memref<64x1000xf32, #tpu.memory_space<vmem>>, vector<16xf32>,
      tpu.vector_store %arg5[%swap3A_424, %swap3A_425], %broadcast_in_dim3A_3 {strides = array<i32>} : memref<64x1000xf32, #tpu.memory_space<vmem>>, vector<16xf32>,
      %swap3A_427 = arith.index_cast %scan3A_346 : i32 to index
      %swap3A_428 = arith.constant 432 : index
      %swap3A_429 = tpu.vector_load %arg5[%swap3A_427, %swap3A_428] {strides = array<i32>} : memref<64x1000xf32, #tpu.memory_space<vmem>>, vector<16xf32>,
      tpu.vector_store %arg5[%swap3A_427, %swap3A_428], %broadcast_in_dim3A_3 {strides = array<i32>} : memref<64x1000xf32, #tpu.memory_space<vmem>>, vector<16xf32>,
      %swap3A_430 = arith.index_cast %scan3A_346 : i32 to index
      %swap3A_431 = arith.constant 448 : index
      %swap3A_432 = tpu.vector_load %arg5[%swap3A_430, %swap3A_431] {strides = array<i32>} : memref<64x1000xf32, #tpu.memory_space<vmem>>, vector<16xf32>,
      tpu.vector_store %arg5[%swap3A_430, %swap3A_431], %broadcast_in_dim3A_3 {strides = array<i32>} : memref<64x1000xf32, #tpu.memory_space<vmem>>, vector<16xf32>,
      %swap3A_433 = arith.index_cast %scan3A_346 : i32 to index
      %swap3A_434 = arith.constant 464 : index
      %swap3A_435 = tpu.vector_load %arg5[%swap3A_433, %swap3A_434] {strides = array<i32>} : memref<64x1000xf32, #tpu.memory_space<vmem>>, vector<16xf32>,
      tpu.vector_store %arg5[%swap3A_433, %swap3A_434], %broadcast_in_dim3A_3 {strides = array<i32>} : memref<64x1000xf32, #tpu.memory_space<vmem>>, vector<16xf32>,
      %swap3A_436 = arith.index_cast %scan3A_346 : i32 to index
      %swap3A_437 = arith.constant 480 : index
      %swap3A_438 = tpu.vector_load %arg5[%swap3A_436, %swap3A_437] {strides = array<i32>} : memref<64x1000xf32, #tpu.memory_space<vmem>>, vector<16xf32>,
      tpu.vector_store %arg5[%swap3A_436, %swap3A_437], %broadcast_in_dim3A_3 {strides = array<i32>} : memref<64x1000xf32, #tpu.memory_space<vmem>>, vector<16xf32>,
      %swap3A_439 = arith.index_cast %scan3A_346 : i32 to index
      %swap3A_440 = arith.constant 496 : index
      %swap3A_441 = tpu.vector_load %arg5[%swap3A_439, %swap3A_440] {strides = array<i32>} : memref<64x1000xf32, #tpu.memory_space<vmem>>, vector<16xf32>,
      tpu.vector_store %arg5[%swap3A_439, %swap3A_440], %broadcast_in_dim3A_3 {strides = array<i32>} : memref<64x1000xf32, #tpu.memory_space<vmem>>, vector<16xf32>,
      %swap3A_442 = arith.index_cast %scan3A_346 : i32 to index
      %swap3A_443 = arith.constant 512 : index
      %swap3A_444 = tpu.vector_load %arg5[%swap3A_442, %swap3A_443] {strides = array<i32>} : memref<64x1000xf32, #tpu.memory_space<vmem>>, vector<16xf32>,
      tpu.vector_store %arg5[%swap3A_442, %swap3A_443], %broadcast_in_dim3A_3 {strides = array<i32>} : memref<64x1000xf32, #tpu.memory_space<vmem>>, vector<16xf32>,
      %swap3A_445 = arith.index_cast %scan3A_346 : i32 to index
      %swap3A_446 = arith.constant 528 : index
      %swap3A_447 = tpu.vector_load %arg5[%swap3A_445, %swap3A_446] {strides = array<i32>} : memref<64x1000xf32, #tpu.memory_space<vmem>>, vector<16xf32>,
      tpu.vector_store %arg5[%swap3A_445, %swap3A_446], %broadcast_in_dim3A_3 {strides = array<i32>} : memref<64x1000xf32, #tpu.memory_space<vmem>>, vector<16xf32>,
      %swap3A_448 = arith.index_cast %scan3A_346 : i32 to index
      %swap3A_449 = arith.constant 544 : index
      %swap3A_450 = tpu.vector_load %arg5[%swap3A_448, %swap3A_449] {strides = array<i32>} : memref<64x1000xf32, #tpu.memory_space<vmem>>, vector<16xf32>,
      tpu.vector_store %arg5[%swap3A_448, %swap3A_449], %broadcast_in_dim3A_3 {strides = array<i32>} : memref<64x1000xf32, #tpu.memory_space<vmem>>, vector<16xf32>,
      %swap3A_451 = arith.index_cast %scan3A_346 : i32 to index
      %swap3A_452 = arith.constant 560 : index
      %swap3A_453 = tpu.vector_load %arg5[%swap3A_451, %swap3A_452] {strides = array<i32>} : memref<64x1000xf32, #tpu.memory_space<vmem>>, vector<16xf32>,
      tpu.vector_store %arg5[%swap3A_451, %swap3A_452], %broadcast_in_dim3A_3 {strides = array<i32>} : memref<64x1000xf32, #tpu.memory_space<vmem>>, vector<16xf32>,
      %swap3A_454 = arith.index_cast %scan3A_346 : i32 to index
      %swap3A_455 = arith.constant 576 : index
      %swap3A_456 = tpu.vector_load %arg5[%swap3A_454, %swap3A_455] {strides = array<i32>} : memref<64x1000xf32, #tpu.memory_space<vmem>>, vector<16xf32>,
      tpu.vector_store %arg5[%swap3A_454, %swap3A_455], %broadcast_in_dim3A_3 {strides = array<i32>} : memref<64x1000xf32, #tpu.memory_space<vmem>>, vector<16xf32>,
      %swap3A_457 = arith.index_cast %scan3A_346 : i32 to index
      %swap3A_458 = arith.constant 592 : index
      %swap3A_459 = tpu.vector_load %arg5[%swap3A_457, %swap3A_458] {strides = array<i32>} : memref<64x1000xf32, #tpu.memory_space<vmem>>, vector<16xf32>,
      tpu.vector_store %arg5[%swap3A_457, %swap3A_458], %broadcast_in_dim3A_3 {strides = array<i32>} : memref<64x1000xf32, #tpu.memory_space<vmem>>, vector<16xf32>,
      %swap3A_460 = arith.index_cast %scan3A_346 : i32 to index
      %swap3A_461 = arith.constant 608 : index
      %swap3A_462 = tpu.vector_load %arg5[%swap3A_460, %swap3A_461] {strides = array<i32>} : memref<64x1000xf32, #tpu.memory_space<vmem>>, vector<16xf32>,
      tpu.vector_store %arg5[%swap3A_460, %swap3A_461], %broadcast_in_dim3A_3 {strides = array<i32>} : memref<64x1000xf32, #tpu.memory_space<vmem>>, vector<16xf32>,
      %swap3A_463 = arith.index_cast %scan3A_346 : i32 to index
      %swap3A_464 = arith.constant 624 : index
      %swap3A_465 = tpu.vector_load %arg5[%swap3A_463, %swap3A_464] {strides = array<i32>} : memref<64x1000xf32, #tpu.memory_space<vmem>>, vector<16xf32>,
      tpu.vector_store %arg5[%swap3A_463, %swap3A_464], %broadcast_in_dim3A_3 {strides = array<i32>} : memref<64x1000xf32, #tpu.memory_space<vmem>>, vector<16xf32>,
      %swap3A_466 = arith.index_cast %scan3A_346 : i32 to index
      %swap3A_467 = arith.constant 640 : index
      %swap3A_468 = tpu.vector_load %arg5[%swap3A_466, %swap3A_467] {strides = array<i32>} : memref<64x1000xf32, #tpu.memory_space<vmem>>, vector<16xf32>,
      tpu.vector_store %arg5[%swap3A_466, %swap3A_467], %broadcast_in_dim3A_3 {strides = array<i32>} : memref<64x1000xf32, #tpu.memory_space<vmem>>, vector<16xf32>,
      %swap3A_469 = arith.index_cast %scan3A_346 : i32 to index
      %swap3A_470 = arith.constant 656 : index
      %swap3A_471 = tpu.vector_load %arg5[%swap3A_469, %swap3A_470] {strides = array<i32>} : memref<64x1000xf32, #tpu.memory_space<vmem>>, vector<16xf32>,
      tpu.vector_store %arg5[%swap3A_469, %swap3A_470], %broadcast_in_dim3A_3 {strides = array<i32>} : memref<64x1000xf32, #tpu.memory_space<vmem>>, vector<16xf32>,
      %swap3A_472 = arith.index_cast %scan3A_346 : i32 to index
      %swap3A_473 = arith.constant 672 : index
      %swap3A_474 = tpu.vector_load %arg5[%swap3A_472, %swap3A_473] {strides = array<i32>} : memref<64x1000xf32, #tpu.memory_space<vmem>>, vector<16xf32>,
      tpu.vector_store %arg5[%swap3A_472, %swap3A_473], %broadcast_in_dim3A_3 {strides = array<i32>} : memref<64x1000xf32, #tpu.memory_space<vmem>>, vector<16xf32>,
      %swap3A_475 = arith.index_cast %scan3A_346 : i32 to index
      %swap3A_476 = arith.constant 688 : index
      %swap3A_477 = tpu.vector_load %arg5[%swap3A_475, %swap3A_476] {strides = array<i32>} : memref<64x1000xf32, #tpu.memory_space<vmem>>, vector<16xf32>,
      tpu.vector_store %arg5[%swap3A_475, %swap3A_476], %broadcast_in_dim3A_3 {strides = array<i32>} : memref<64x1000xf32, #tpu.memory_space<vmem>>, vector<16xf32>,
      %swap3A_478 = arith.index_cast %scan3A_346 : i32 to index
      %swap3A_479 = arith.constant 704 : index
      %swap3A_480 = tpu.vector_load %arg5[%swap3A_478, %swap3A_479] {strides = array<i32>} : memref<64x1000xf32, #tpu.memory_space<vmem>>, vector<16xf32>,
      tpu.vector_store %arg5[%swap3A_478, %swap3A_479], %broadcast_in_dim3A_3 {strides = array<i32>} : memref<64x1000xf32, #tpu.memory_space<vmem>>, vector<16xf32>,
      %swap3A_481 = arith.index_cast %scan3A_346 : i32 to index
      %swap3A_482 = arith.constant 720 : index
      %swap3A_483 = tpu.vector_load %arg5[%swap3A_481, %swap3A_482] {strides = array<i32>} : memref<64x1000xf32, #tpu.memory_space<vmem>>, vector<16xf32>,
      tpu.vector_store %arg5[%swap3A_481, %swap3A_482], %broadcast_in_dim3A_3 {strides = array<i32>} : memref<64x1000xf32, #tpu.memory_space<vmem>>, vector<16xf32>,
      %swap3A_484 = arith.index_cast %scan3A_346 : i32 to index
      %swap3A_485 = arith.constant 736 : index
      %swap3A_486 = tpu.vector_load %arg5[%swap3A_484, %swap3A_485] {strides = array<i32>} : memref<64x1000xf32, #tpu.memory_space<vmem>>, vector<16xf32>,
      tpu.vector_store %arg5[%swap3A_484, %swap3A_485], %broadcast_in_dim3A_3 {strides = array<i32>} : memref<64x1000xf32, #tpu.memory_space<vmem>>, vector<16xf32>,
      %swap3A_487 = arith.index_cast %scan3A_346 : i32 to index
      %swap3A_488 = arith.constant 752 : index
      %swap3A_489 = tpu.vector_load %arg5[%swap3A_487, %swap3A_488] {strides = array<i32>} : memref<64x1000xf32, #tpu.memory_space<vmem>>, vector<16xf32>,
      tpu.vector_store %arg5[%swap3A_487, %swap3A_488], %broadcast_in_dim3A_3 {strides = array<i32>} : memref<64x1000xf32, #tpu.memory_space<vmem>>, vector<16xf32>,
      %swap3A_490 = arith.index_cast %scan3A_346 : i32 to index
      %swap3A_491 = arith.constant 768 : index
      %swap3A_492 = tpu.vector_load %arg5[%swap3A_490, %swap3A_491] {strides = array<i32>} : memref<64x1000xf32, #tpu.memory_space<vmem>>, vector<16xf32>,
      tpu.vector_store %arg5[%swap3A_490, %swap3A_491], %broadcast_in_dim3A_3 {strides = array<i32>} : memref<64x1000xf32, #tpu.memory_space<vmem>>, vector<16xf32>,
      %swap3A_493 = arith.index_cast %scan3A_346 : i32 to index
      %swap3A_494 = arith.constant 784 : index
      %swap3A_495 = tpu.vector_load %arg5[%swap3A_493, %swap3A_494] {strides = array<i32>} : memref<64x1000xf32, #tpu.memory_space<vmem>>, vector<16xf32>,
      tpu.vector_store %arg5[%swap3A_493, %swap3A_494], %broadcast_in_dim3A_3 {strides = array<i32>} : memref<64x1000xf32, #tpu.memory_space<vmem>>, vector<16xf32>,
      %swap3A_496 = arith.index_cast %scan3A_346 : i32 to index
      %swap3A_497 = arith.constant 800 : index
      %swap3A_498 = tpu.vector_load %arg5[%swap3A_496, %swap3A_497] {strides = array<i32>} : memref<64x1000xf32, #tpu.memory_space<vmem>>, vector<16xf32>,
      tpu.vector_store %arg5[%swap3A_496, %swap3A_497], %broadcast_in_dim3A_3 {strides = array<i32>} : memref<64x1000xf32, #tpu.memory_space<vmem>>, vector<16xf32>,
      %swap3A_499 = arith.index_cast %scan3A_346 : i32 to index
      %swap3A_500 = arith.constant 816 : index
      %swap3A_501 = tpu.vector_load %arg5[%swap3A_499, %swap3A_500] {strides = array<i32>} : memref<64x1000xf32, #tpu.memory_space<vmem>>, vector<16xf32>,
      tpu.vector_store %arg5[%swap3A_499, %swap3A_500], %broadcast_in_dim3A_3 {strides = array<i32>} : memref<64x1000xf32, #tpu.memory_space<vmem>>, vector<16xf32>,
      %swap3A_502 = arith.index_cast %scan3A_346 : i32 to index
      %swap3A_503 = arith.constant 832 : index
      %swap3A_504 = tpu.vector_load %arg5[%swap3A_502, %swap3A_503] {strides = array<i32>} : memref<64x1000xf32, #tpu.memory_space<vmem>>, vector<16xf32>,
      tpu.vector_store %arg5[%swap3A_502, %swap3A_503], %broadcast_in_dim3A_3 {strides = array<i32>} : memref<64x1000xf32, #tpu.memory_space<vmem>>, vector<16xf32>,
      %swap3A_505 = arith.index_cast %scan3A_346 : i32 to index
      %swap3A_506 = arith.constant 848 : index
      %swap3A_507 = tpu.vector_load %arg5[%swap3A_505, %swap3A_506] {strides = array<i32>} : memref<64x1000xf32, #tpu.memory_space<vmem>>, vector<16xf32>,
      tpu.vector_store %arg5[%swap3A_505, %swap3A_506], %broadcast_in_dim3A_3 {strides = array<i32>} : memref<64x1000xf32, #tpu.memory_space<vmem>>, vector<16xf32>,
      %swap3A_508 = arith.index_cast %scan3A_346 : i32 to index
      %swap3A_509 = arith.constant 864 : index
      %swap3A_510 = tpu.vector_load %arg5[%swap3A_508, %swap3A_509] {strides = array<i32>} : memref<64x1000xf32, #tpu.memory_space<vmem>>, vector<16xf32>,
      tpu.vector_store %arg5[%swap3A_508, %swap3A_509], %broadcast_in_dim3A_3 {strides = array<i32>} : memref<64x1000xf32, #tpu.memory_space<vmem>>, vector<16xf32>,
      %swap3A_511 = arith.index_cast %scan3A_346 : i32 to index
      %swap3A_512 = arith.constant 880 : index
      %swap3A_513 = tpu.vector_load %arg5[%swap3A_511, %swap3A_512] {strides = array<i32>} : memref<64x1000xf32, #tpu.memory_space<vmem>>, vector<16xf32>,
      tpu.vector_store %arg5[%swap3A_511, %swap3A_512], %broadcast_in_dim3A_3 {strides = array<i32>} : memref<64x1000xf32, #tpu.memory_space<vmem>>, vector<16xf32>,
      %swap3A_514 = arith.index_cast %scan3A_346 : i32 to index
      %swap3A_515 = arith.constant 896 : index
      %swap3A_516 = tpu.vector_load %arg5[%swap3A_514, %swap3A_515] {strides = array<i32>} : memref<64x1000xf32, #tpu.memory_space<vmem>>, vector<16xf32>,
      tpu.vector_store %arg5[%swap3A_514, %swap3A_515], %broadcast_in_dim3A_3 {strides = array<i32>} : memref<64x1000xf32, #tpu.memory_space<vmem>>, vector<16xf32>,
      %swap3A_517 = arith.index_cast %scan3A_346 : i32 to index
      %swap3A_518 = arith.constant 912 : index
      %swap3A_519 = tpu.vector_load %arg5[%swap3A_517, %swap3A_518] {strides = array<i32>} : memref<64x1000xf32, #tpu.memory_space<vmem>>, vector<16xf32>,
      tpu.vector_store %arg5[%swap3A_517, %swap3A_518], %broadcast_in_dim3A_3 {strides = array<i32>} : memref<64x1000xf32, #tpu.memory_space<vmem>>, vector<16xf32>,
      %swap3A_520 = arith.index_cast %scan3A_346 : i32 to index
      %swap3A_521 = arith.constant 928 : index
      %swap3A_522 = tpu.vector_load %arg5[%swap3A_520, %swap3A_521] {strides = array<i32>} : memref<64x1000xf32, #tpu.memory_space<vmem>>, vector<16xf32>,
      tpu.vector_store %arg5[%swap3A_520, %swap3A_521], %broadcast_in_dim3A_3 {strides = array<i32>} : memref<64x1000xf32, #tpu.memory_space<vmem>>, vector<16xf32>,
      %swap3A_523 = arith.index_cast %scan3A_346 : i32 to index
      %swap3A_524 = arith.constant 944 : index
      %swap3A_525 = tpu.vector_load %arg5[%swap3A_523, %swap3A_524] {strides = array<i32>} : memref<64x1000xf32, #tpu.memory_space<vmem>>, vector<16xf32>,
      tpu.vector_store %arg5[%swap3A_523, %swap3A_524], %broadcast_in_dim3A_3 {strides = array<i32>} : memref<64x1000xf32, #tpu.memory_space<vmem>>, vector<16xf32>,
      %swap3A_526 = arith.index_cast %scan3A_346 : i32 to index
      %swap3A_527 = arith.constant 960 : index
      %swap3A_528 = tpu.vector_load %arg5[%swap3A_526, %swap3A_527] {strides = array<i32>} : memref<64x1000xf32, #tpu.memory_space<vmem>>, vector<16xf32>,
      tpu.vector_store %arg5[%swap3A_526, %swap3A_527], %broadcast_in_dim3A_3 {strides = array<i32>} : memref<64x1000xf32, #tpu.memory_space<vmem>>, vector<16xf32>,
      %swap3A_529 = arith.index_cast %scan3A_346 : i32 to index
      %swap3A_530 = arith.constant 976 : index
      %swap3A_531 = tpu.vector_load %arg5[%swap3A_529, %swap3A_530] {strides = array<i32>} : memref<64x1000xf32, #tpu.memory_space<vmem>>, vector<16xf32>,
      tpu.vector_store %arg5[%swap3A_529, %swap3A_530], %broadcast_in_dim3A_3 {strides = array<i32>} : memref<64x1000xf32, #tpu.memory_space<vmem>>, vector<16xf32>,
      %swap3A_532 = arith.index_cast %scan3A_346 : i32 to index
      %swap3A_533 = arith.constant 984 : index
      %swap3A_534 = tpu.vector_load %arg5[%swap3A_532, %swap3A_533] {strides = array<i32>} : memref<64x1000xf32, #tpu.memory_space<vmem>>, vector<16xf32>,
      tpu.vector_store %arg5[%swap3A_532, %swap3A_533], %broadcast_in_dim3A_3 {strides = array<i32>} : memref<64x1000xf32, #tpu.memory_space<vmem>>, vector<16xf32>,
    }
    %scan3A_8 = arith.constant 64 : i32
    %iota3A = tpu.iota {dimensions = array<i32: 0>} : vector<16xi32>
    %broadcast_in_dim3A_9 = arith.constant 1.000000e+00 : f32
    %broadcast_in_dim3A_10 = vector.broadcast %broadcast_in_dim3A_9 : f32 to vector<16xf32>
    %get3A = arith.constant 0 : index
    %get3A_11 = tpu.vector_load %arg4[%get3A] {strides = array<i32>} : memref<512xi32, #tpu.memory_space<vmem>>, vector<16xi32>,
    %add3A_12 = arith.constant 0 : i32
    %add3A_13 = vector.broadcast %add3A_12 : i32 to vector<16xi32>
    %add3A_14 = arith.addi %iota3A, %add3A_13 : vector<16xi32>
    tpu.vector_store_idx %arg5[%add3A_14, %get3A_11], %broadcast_in_dim3A_10 : memref<64x1000xf32, #tpu.memory_space<vmem>>[vector<16xi32>, vector<16xi32>], vector<16xf32>,
    %get3A_15 = arith.constant 16 : index
    %get3A_16 = tpu.vector_load %arg4[%get3A_15] {strides = array<i32>} : memref<512xi32, #tpu.memory_space<vmem>>, vector<16xi32>,
    %add3A_17 = arith.constant 16 : i32
    %add3A_18 = vector.broadcast %add3A_17 : i32 to vector<16xi32>
    %add3A_19 = arith.addi %iota3A, %add3A_18 : vector<16xi32>
    tpu.vector_store_idx %arg5[%add3A_19, %get3A_16], %broadcast_in_dim3A_10 : memref<64x1000xf32, #tpu.memory_space<vmem>>[vector<16xi32>, vector<16xi32>], vector<16xf32>,
    %get3A_20 = arith.constant 32 : index
    %get3A_21 = tpu.vector_load %arg4[%get3A_20] {strides = array<i32>} : memref<512xi32, #tpu.memory_space<vmem>>, vector<16xi32>,
    %add3A_22 = arith.constant 32 : i32
    %add3A_23 = vector.broadcast %add3A_22 : i32 to vector<16xi32>
    %add3A_24 = arith.addi %iota3A, %add3A_23 : vector<16xi32>
    tpu.vector_store_idx %arg5[%add3A_24, %get3A_21], %broadcast_in_dim3A_10 : memref<64x1000xf32, #tpu.memory_space<vmem>>[vector<16xi32>, vector<16xi32>], vector<16xf32>,
    %get3A_25 = arith.constant 48 : index
    %get3A_26 = tpu.vector_load %arg4[%get3A_25] {strides = array<i32>} : memref<512xi32, #tpu.memory_space<vmem>>, vector<16xi32>,
    %add3A_27 = arith.constant 48 : i32
    %add3A_28 = vector.broadcast %add3A_27 : i32 to vector<16xi32>
    %add3A_29 = arith.addi %iota3A, %add3A_28 : vector<16xi32>
    tpu.vector_store_idx %arg5[%add3A_29, %get3A_26], %broadcast_in_dim3A_10 : memref<64x1000xf32, #tpu.memory_space<vmem>>[vector<16xi32>, vector<16xi32>], vector<16xf32>,
    %add3A_30 = arith.constant 0 : i32
    %add3A_31 = arith.addi %mul3A_2, %add3A_30 : i32
    "tpu.region"() ({
      %run_scoped3A = tpu.sem_alloc : memref<!tpu.dma_semaphore, #tpu.memory_space<semaphore_mem>>
      %dma_start3A = arith.constant 0 : i32
      %dma_start3A_346 = tpu.memref_slice %arg3[%add3A_31, %dma_start3A] : memref<16384x1000xf32, #tpu.memory_space<hbm>> -> memref<64x1000xf32, #tpu.memory_space<hbm>>
      %dma_start3A_347 = arith.constant 0 : i32
      %dma_start3A_348 = tpu.memref_slice %arg3[%add3A_31, %dma_start3A_347] : memref<16384x1000xf32, #tpu.memory_space<hbm>> -> memref<64x1000xf32, #tpu.memory_space<hbm>>
      tpu.enqueue_dma source(%arg5 : memref<64x1000xf32, #tpu.memory_space<vmem>>) target(%dma_start3A_348 : memref<64x1000xf32, #tpu.memory_space<hbm>>) target_semaphore(%run_scoped3A : memref<!tpu.dma_semaphore, #tpu.memory_space<semaphore_mem>>)
      %dma_wait3A = arith.constant 0 : i32
      %dma_wait3A_349 = tpu.memref_slice %arg3[%add3A_31, %dma_wait3A] : memref<16384x1000xf32, #tpu.memory_space<hbm>> -> memref<64x1000xf32, #tpu.memory_space<hbm>>
      %dma_wait3A_350 = arith.constant 0 : i32
      %dma_wait3A_351 = tpu.memref_slice %arg3[%add3A_31, %dma_wait3A_350] : memref<16384x1000xf32, #tpu.memory_space<hbm>> -> memref<64x1000xf32, #tpu.memory_space<hbm>>
      tpu.wait_dma2 semaphore(%run_scoped3A : memref<!tpu.dma_semaphore, #tpu.memory_space<semaphore_mem>>) src(%arg5 : memref<64x1000xf32, #tpu.memory_space<vmem>>) dst(%dma_wait3A_351 : memref<64x1000xf32, #tpu.memory_space<hbm>>)
      tpu.yield
    }) : () -> ()
    %get3A_32 = arith.constant 0 : index
    %get3A_33 = tpu.vector_load %arg4[%get3A_32] {strides = array<i32>} : memref<512xi32, #tpu.memory_space<vmem>>, vector<16xi32>,
    %add3A_34 = arith.constant 0 : i32
    %add3A_35 = vector.broadcast %add3A_34 : i32 to vector<16xi32>
    %add3A_36 = arith.addi %iota3A, %add3A_35 : vector<16xi32>
    tpu.vector_store_idx %arg5[%add3A_36, %get3A_33], %broadcast_in_dim3A_3 : memref<64x1000xf32, #tpu.memory_space<vmem>>[vector<16xi32>, vector<16xi32>], vector<16xf32>,
    %get3A_37 = arith.constant 16 : index
    %get3A_38 = tpu.vector_load %arg4[%get3A_37] {strides = array<i32>} : memref<512xi32, #tpu.memory_space<vmem>>, vector<16xi32>,
    %add3A_39 = arith.constant 16 : i32
    %add3A_40 = vector.broadcast %add3A_39 : i32 to vector<16xi32>
    %add3A_41 = arith.addi %iota3A, %add3A_40 : vector<16xi32>
    tpu.vector_store_idx %arg5[%add3A_41, %get3A_38], %broadcast_in_dim3A_3 : memref<64x1000xf32, #tpu.memory_space<vmem>>[vector<16xi32>, vector<16xi32>], vector<16xf32>,
    %get3A_42 = arith.constant 32 : index
    %get3A_43 = tpu.vector_load %arg4[%get3A_42] {strides = array<i32>} : memref<512xi32, #tpu.memory_space<vmem>>, vector<16xi32>,
    %add3A_44 = arith.constant 32 : i32
    %add3A_45 = vector.broadcast %add3A_44 : i32 to vector<16xi32>
    %add3A_46 = arith.addi %iota3A, %add3A_45 : vector<16xi32>
    tpu.vector_store_idx %arg5[%add3A_46, %get3A_43], %broadcast_in_dim3A_3 : memref<64x1000xf32, #tpu.memory_space<vmem>>[vector<16xi32>, vector<16xi32>], vector<16xf32>,
    %get3A_47 = arith.constant 48 : index
    %get3A_48 = tpu.vector_load %arg4[%get3A_47] {strides = array<i32>} : memref<512xi32, #tpu.memory_space<vmem>>, vector<16xi32>,
    %add3A_49 = arith.constant 48 : i32
    %add3A_50 = vector.broadcast %add3A_49 : i32 to vector<16xi32>
    %add3A_51 = arith.addi %iota3A, %add3A_50 : vector<16xi32>
    tpu.vector_store_idx %arg5[%add3A_51, %get3A_48], %broadcast_in_dim3A_3 : memref<64x1000xf32, #tpu.memory_space<vmem>>[vector<16xi32>, vector<16xi32>], vector<16xf32>,
    %get3A_52 = arith.constant 64 : index
    %get3A_53 = tpu.vector_load %arg4[%get3A_52] {strides = array<i32>} : memref<512xi32, #tpu.memory_space<vmem>>, vector<16xi32>,
    %add3A_54 = arith.constant 0 : i32
    %add3A_55 = vector.broadcast %add3A_54 : i32 to vector<16xi32>
    %add3A_56 = arith.addi %iota3A, %add3A_55 : vector<16xi32>
    tpu.vector_store_idx %arg5[%add3A_56, %get3A_53], %broadcast_in_dim3A_10 : memref<64x1000xf32, #tpu.memory_space<vmem>>[vector<16xi32>, vector<16xi32>], vector<16xf32>,
    %get3A_57 = arith.constant 80 : index
    %get3A_58 = tpu.vector_load %arg4[%get3A_57] {strides = array<i32>} : memref<512xi32, #tpu.memory_space<vmem>>, vector<16xi32>,
    %add3A_59 = arith.constant 16 : i32
    %add3A_60 = vector.broadcast %add3A_59 : i32 to vector<16xi32>
    %add3A_61 = arith.addi %iota3A, %add3A_60 : vector<16xi32>
    tpu.vector_store_idx %arg5[%add3A_61, %get3A_58], %broadcast_in_dim3A_10 : memref<64x1000xf32, #tpu.memory_space<vmem>>[vector<16xi32>, vector<16xi32>], vector<16xf32>,
    %get3A_62 = arith.constant 96 : index
    %get3A_63 = tpu.vector_load %arg4[%get3A_62] {strides = array<i32>} : memref<512xi32, #tpu.memory_space<vmem>>, vector<16xi32>,
    %add3A_64 = arith.constant 32 : i32
    %add3A_65 = vector.broadcast %add3A_64 : i32 to vector<16xi32>
    %add3A_66 = arith.addi %iota3A, %add3A_65 : vector<16xi32>
    tpu.vector_store_idx %arg5[%add3A_66, %get3A_63], %broadcast_in_dim3A_10 : memref<64x1000xf32, #tpu.memory_space<vmem>>[vector<16xi32>, vector<16xi32>], vector<16xf32>,
    %get3A_67 = arith.constant 112 : index
    %get3A_68 = tpu.vector_load %arg4[%get3A_67] {strides = array<i32>} : memref<512xi32, #tpu.memory_space<vmem>>, vector<16xi32>,
    %add3A_69 = arith.constant 48 : i32
    %add3A_70 = vector.broadcast %add3A_69 : i32 to vector<16xi32>
    %add3A_71 = arith.addi %iota3A, %add3A_70 : vector<16xi32>
    tpu.vector_store_idx %arg5[%add3A_71, %get3A_68], %broadcast_in_dim3A_10 : memref<64x1000xf32, #tpu.memory_space<vmem>>[vector<16xi32>, vector<16xi32>], vector<16xf32>,
    %add3A_72 = arith.constant 64 : i32
    %add3A_73 = arith.addi %mul3A_2, %add3A_72 : i32
    "tpu.region"() ({
      %run_scoped3A = tpu.sem_alloc : memref<!tpu.dma_semaphore, #tpu.memory_space<semaphore_mem>>
      %dma_start3A = arith.constant 0 : i32
      %dma_start3A_346 = tpu.memref_slice %arg3[%add3A_73, %dma_start3A] : memref<16384x1000xf32, #tpu.memory_space<hbm>> -> memref<64x1000xf32, #tpu.memory_space<hbm>>
      %dma_start3A_347 = arith.constant 0 : i32
      %dma_start3A_348 = tpu.memref_slice %arg3[%add3A_73, %dma_start3A_347] : memref<16384x1000xf32, #tpu.memory_space<hbm>> -> memref<64x1000xf32, #tpu.memory_space<hbm>>
      tpu.enqueue_dma source(%arg5 : memref<64x1000xf32, #tpu.memory_space<vmem>>) target(%dma_start3A_348 : memref<64x1000xf32, #tpu.memory_space<hbm>>) target_semaphore(%run_scoped3A : memref<!tpu.dma_semaphore, #tpu.memory_space<semaphore_mem>>)
      %dma_wait3A = arith.constant 0 : i32
      %dma_wait3A_349 = tpu.memref_slice %arg3[%add3A_73, %dma_wait3A] : memref<16384x1000xf32, #tpu.memory_space<hbm>> -> memref<64x1000xf32, #tpu.memory_space<hbm>>
      %dma_wait3A_350 = arith.constant 0 : i32
      %dma_wait3A_351 = tpu.memref_slice %arg3[%add3A_73, %dma_wait3A_350] : memref<16384x1000xf32, #tpu.memory_space<hbm>> -> memref<64x1000xf32, #tpu.memory_space<hbm>>
      tpu.wait_dma2 semaphore(%run_scoped3A : memref<!tpu.dma_semaphore, #tpu.memory_space<semaphore_mem>>) src(%arg5 : memref<64x1000xf32, #tpu.memory_space<vmem>>) dst(%dma_wait3A_351 : memref<64x1000xf32, #tpu.memory_space<hbm>>)
      tpu.yield
    }) : () -> ()
    %get3A_74 = arith.constant 64 : index
    %get3A_75 = tpu.vector_load %arg4[%get3A_74] {strides = array<i32>} : memref<512xi32, #tpu.memory_space<vmem>>, vector<16xi32>,
    %add3A_76 = arith.constant 0 : i32
    %add3A_77 = vector.broadcast %add3A_76 : i32 to vector<16xi32>
    %add3A_78 = arith.addi %iota3A, %add3A_77 : vector<16xi32>
    tpu.vector_store_idx %arg5[%add3A_78, %get3A_75], %broadcast_in_dim3A_3 : memref<64x1000xf32, #tpu.memory_space<vmem>>[vector<16xi32>, vector<16xi32>], vector<16xf32>,
    %get3A_79 = arith.constant 80 : index
    %get3A_80 = tpu.vector_load %arg4[%get3A_79] {strides = array<i32>} : memref<512xi32, #tpu.memory_space<vmem>>, vector<16xi32>,
    %add3A_81 = arith.constant 16 : i32
    %add3A_82 = vector.broadcast %add3A_81 : i32 to vector<16xi32>
    %add3A_83 = arith.addi %iota3A, %add3A_82 : vector<16xi32>
    tpu.vector_store_idx %arg5[%add3A_83, %get3A_80], %broadcast_in_dim3A_3 : memref<64x1000xf32, #tpu.memory_space<vmem>>[vector<16xi32>, vector<16xi32>], vector<16xf32>,
    %get3A_84 = arith.constant 96 : index
    %get3A_85 = tpu.vector_load %arg4[%get3A_84] {strides = array<i32>} : memref<512xi32, #tpu.memory_space<vmem>>, vector<16xi32>,
    %add3A_86 = arith.constant 32 : i32
    %add3A_87 = vector.broadcast %add3A_86 : i32 to vector<16xi32>
    %add3A_88 = arith.addi %iota3A, %add3A_87 : vector<16xi32>
    tpu.vector_store_idx %arg5[%add3A_88, %get3A_85], %broadcast_in_dim3A_3 : memref<64x1000xf32, #tpu.memory_space<vmem>>[vector<16xi32>, vector<16xi32>], vector<16xf32>,
    %get3A_89 = arith.constant 112 : index
    %get3A_90 = tpu.vector_load %arg4[%get3A_89] {strides = array<i32>} : memref<512xi32, #tpu.memory_space<vmem>>, vector<16xi32>,
    %add3A_91 = arith.constant 48 : i32
    %add3A_92 = vector.broadcast %add3A_91 : i32 to vector<16xi32>
    %add3A_93 = arith.addi %iota3A, %add3A_92 : vector<16xi32>
    tpu.vector_store_idx %arg5[%add3A_93, %get3A_90], %broadcast_in_dim3A_3 : memref<64x1000xf32, #tpu.memory_space<vmem>>[vector<16xi32>, vector<16xi32>], vector<16xf32>,
    %get3A_94 = arith.constant 128 : index
    %get3A_95 = tpu.vector_load %arg4[%get3A_94] {strides = array<i32>} : memref<512xi32, #tpu.memory_space<vmem>>, vector<16xi32>,
    %add3A_96 = arith.constant 0 : i32
    %add3A_97 = vector.broadcast %add3A_96 : i32 to vector<16xi32>
    %add3A_98 = arith.addi %iota3A, %add3A_97 : vector<16xi32>
    tpu.vector_store_idx %arg5[%add3A_98, %get3A_95], %broadcast_in_dim3A_10 : memref<64x1000xf32, #tpu.memory_space<vmem>>[vector<16xi32>, vector<16xi32>], vector<16xf32>,
    %get3A_99 = arith.constant 144 : index
    %get3A_100 = tpu.vector_load %arg4[%get3A_99] {strides = array<i32>} : memref<512xi32, #tpu.memory_space<vmem>>, vector<16xi32>,
    %add3A_101 = arith.constant 16 : i32
    %add3A_102 = vector.broadcast %add3A_101 : i32 to vector<16xi32>
    %add3A_103 = arith.addi %iota3A, %add3A_102 : vector<16xi32>
    tpu.vector_store_idx %arg5[%add3A_103, %get3A_100], %broadcast_in_dim3A_10 : memref<64x1000xf32, #tpu.memory_space<vmem>>[vector<16xi32>, vector<16xi32>], vector<16xf32>,
    %get3A_104 = arith.constant 160 : index
    %get3A_105 = tpu.vector_load %arg4[%get3A_104] {strides = array<i32>} : memref<512xi32, #tpu.memory_space<vmem>>, vector<16xi32>,
    %add3A_106 = arith.constant 32 : i32
    %add3A_107 = vector.broadcast %add3A_106 : i32 to vector<16xi32>
    %add3A_108 = arith.addi %iota3A, %add3A_107 : vector<16xi32>
    tpu.vector_store_idx %arg5[%add3A_108, %get3A_105], %broadcast_in_dim3A_10 : memref<64x1000xf32, #tpu.memory_space<vmem>>[vector<16xi32>, vector<16xi32>], vector<16xf32>,
    %get3A_109 = arith.constant 176 : index
    %get3A_110 = tpu.vector_load %arg4[%get3A_109] {strides = array<i32>} : memref<512xi32, #tpu.memory_space<vmem>>, vector<16xi32>,
    %add3A_111 = arith.constant 48 : i32
    %add3A_112 = vector.broadcast %add3A_111 : i32 to vector<16xi32>
    %add3A_113 = arith.addi %iota3A, %add3A_112 : vector<16xi32>
    tpu.vector_store_idx %arg5[%add3A_113, %get3A_110], %broadcast_in_dim3A_10 : memref<64x1000xf32, #tpu.memory_space<vmem>>[vector<16xi32>, vector<16xi32>], vector<16xf32>,
    %add3A_114 = arith.constant 128 : i32
    %add3A_115 = arith.addi %mul3A_2, %add3A_114 : i32
    "tpu.region"() ({
      %run_scoped3A = tpu.sem_alloc : memref<!tpu.dma_semaphore, #tpu.memory_space<semaphore_mem>>
      %dma_start3A = arith.constant 0 : i32
      %dma_start3A_346 = tpu.memref_slice %arg3[%add3A_115, %dma_start3A] : memref<16384x1000xf32, #tpu.memory_space<hbm>> -> memref<64x1000xf32, #tpu.memory_space<hbm>>
      %dma_start3A_347 = arith.constant 0 : i32
      %dma_start3A_348 = tpu.memref_slice %arg3[%add3A_115, %dma_start3A_347] : memref<16384x1000xf32, #tpu.memory_space<hbm>> -> memref<64x1000xf32, #tpu.memory_space<hbm>>
      tpu.enqueue_dma source(%arg5 : memref<64x1000xf32, #tpu.memory_space<vmem>>) target(%dma_start3A_348 : memref<64x1000xf32, #tpu.memory_space<hbm>>) target_semaphore(%run_scoped3A : memref<!tpu.dma_semaphore, #tpu.memory_space<semaphore_mem>>)
      %dma_wait3A = arith.constant 0 : i32
      %dma_wait3A_349 = tpu.memref_slice %arg3[%add3A_115, %dma_wait3A] : memref<16384x1000xf32, #tpu.memory_space<hbm>> -> memref<64x1000xf32, #tpu.memory_space<hbm>>
      %dma_wait3A_350 = arith.constant 0 : i32
      %dma_wait3A_351 = tpu.memref_slice %arg3[%add3A_115, %dma_wait3A_350] : memref<16384x1000xf32, #tpu.memory_space<hbm>> -> memref<64x1000xf32, #tpu.memory_space<hbm>>
      tpu.wait_dma2 semaphore(%run_scoped3A : memref<!tpu.dma_semaphore, #tpu.memory_space<semaphore_mem>>) src(%arg5 : memref<64x1000xf32, #tpu.memory_space<vmem>>) dst(%dma_wait3A_351 : memref<64x1000xf32, #tpu.memory_space<hbm>>)
      tpu.yield
    }) : () -> ()
    %get3A_116 = arith.constant 128 : index
    %get3A_117 = tpu.vector_load %arg4[%get3A_116] {strides = array<i32>} : memref<512xi32, #tpu.memory_space<vmem>>, vector<16xi32>,
    %add3A_118 = arith.constant 0 : i32
    %add3A_119 = vector.broadcast %add3A_118 : i32 to vector<16xi32>
    %add3A_120 = arith.addi %iota3A, %add3A_119 : vector<16xi32>
    tpu.vector_store_idx %arg5[%add3A_120, %get3A_117], %broadcast_in_dim3A_3 : memref<64x1000xf32, #tpu.memory_space<vmem>>[vector<16xi32>, vector<16xi32>], vector<16xf32>,
    %get3A_121 = arith.constant 144 : index
    %get3A_122 = tpu.vector_load %arg4[%get3A_121] {strides = array<i32>} : memref<512xi32, #tpu.memory_space<vmem>>, vector<16xi32>,
    %add3A_123 = arith.constant 16 : i32
    %add3A_124 = vector.broadcast %add3A_123 : i32 to vector<16xi32>
    %add3A_125 = arith.addi %iota3A, %add3A_124 : vector<16xi32>
    tpu.vector_store_idx %arg5[%add3A_125, %get3A_122], %broadcast_in_dim3A_3 : memref<64x1000xf32, #tpu.memory_space<vmem>>[vector<16xi32>, vector<16xi32>], vector<16xf32>,
    %get3A_126 = arith.constant 160 : index
    %get3A_127 = tpu.vector_load %arg4[%get3A_126] {strides = array<i32>} : memref<512xi32, #tpu.memory_space<vmem>>, vector<16xi32>,
    %add3A_128 = arith.constant 32 : i32
    %add3A_129 = vector.broadcast %add3A_128 : i32 to vector<16xi32>
    %add3A_130 = arith.addi %iota3A, %add3A_129 : vector<16xi32>
    tpu.vector_store_idx %arg5[%add3A_130, %get3A_127], %broadcast_in_dim3A_3 : memref<64x1000xf32, #tpu.memory_space<vmem>>[vector<16xi32>, vector<16xi32>], vector<16xf32>,
    %get3A_131 = arith.constant 176 : index
    %get3A_132 = tpu.vector_load %arg4[%get3A_131] {strides = array<i32>} : memref<512xi32, #tpu.memory_space<vmem>>, vector<16xi32>,
    %add3A_133 = arith.constant 48 : i32
    %add3A_134 = vector.broadcast %add3A_133 : i32 to vector<16xi32>
    %add3A_135 = arith.addi %iota3A, %add3A_134 : vector<16xi32>
    tpu.vector_store_idx %arg5[%add3A_135, %get3A_132], %broadcast_in_dim3A_3 : memref<64x1000xf32, #tpu.memory_space<vmem>>[vector<16xi32>, vector<16xi32>], vector<16xf32>,
    %get3A_136 = arith.constant 192 : index
    %get3A_137 = tpu.vector_load %arg4[%get3A_136] {strides = array<i32>} : memref<512xi32, #tpu.memory_space<vmem>>, vector<16xi32>,
    %add3A_138 = arith.constant 0 : i32
    %add3A_139 = vector.broadcast %add3A_138 : i32 to vector<16xi32>
    %add3A_140 = arith.addi %iota3A, %add3A_139 : vector<16xi32>
    tpu.vector_store_idx %arg5[%add3A_140, %get3A_137], %broadcast_in_dim3A_10 : memref<64x1000xf32, #tpu.memory_space<vmem>>[vector<16xi32>, vector<16xi32>], vector<16xf32>,
    %get3A_141 = arith.constant 208 : index
    %get3A_142 = tpu.vector_load %arg4[%get3A_141] {strides = array<i32>} : memref<512xi32, #tpu.memory_space<vmem>>, vector<16xi32>,
    %add3A_143 = arith.constant 16 : i32
    %add3A_144 = vector.broadcast %add3A_143 : i32 to vector<16xi32>
    %add3A_145 = arith.addi %iota3A, %add3A_144 : vector<16xi32>
    tpu.vector_store_idx %arg5[%add3A_145, %get3A_142], %broadcast_in_dim3A_10 : memref<64x1000xf32, #tpu.memory_space<vmem>>[vector<16xi32>, vector<16xi32>], vector<16xf32>,
    %get3A_146 = arith.constant 224 : index
    %get3A_147 = tpu.vector_load %arg4[%get3A_146] {strides = array<i32>} : memref<512xi32, #tpu.memory_space<vmem>>, vector<16xi32>,
    %add3A_148 = arith.constant 32 : i32
    %add3A_149 = vector.broadcast %add3A_148 : i32 to vector<16xi32>
    %add3A_150 = arith.addi %iota3A, %add3A_149 : vector<16xi32>
    tpu.vector_store_idx %arg5[%add3A_150, %get3A_147], %broadcast_in_dim3A_10 : memref<64x1000xf32, #tpu.memory_space<vmem>>[vector<16xi32>, vector<16xi32>], vector<16xf32>,
    %get3A_151 = arith.constant 240 : index
    %get3A_152 = tpu.vector_load %arg4[%get3A_151] {strides = array<i32>} : memref<512xi32, #tpu.memory_space<vmem>>, vector<16xi32>,
    %add3A_153 = arith.constant 48 : i32
    %add3A_154 = vector.broadcast %add3A_153 : i32 to vector<16xi32>
    %add3A_155 = arith.addi %iota3A, %add3A_154 : vector<16xi32>
    tpu.vector_store_idx %arg5[%add3A_155, %get3A_152], %broadcast_in_dim3A_10 : memref<64x1000xf32, #tpu.memory_space<vmem>>[vector<16xi32>, vector<16xi32>], vector<16xf32>,
    %add3A_156 = arith.constant 192 : i32
    %add3A_157 = arith.addi %mul3A_2, %add3A_156 : i32
    "tpu.region"() ({
      %run_scoped3A = tpu.sem_alloc : memref<!tpu.dma_semaphore, #tpu.memory_space<semaphore_mem>>
      %dma_start3A = arith.constant 0 : i32
      %dma_start3A_346 = tpu.memref_slice %arg3[%add3A_157, %dma_start3A] : memref<16384x1000xf32, #tpu.memory_space<hbm>> -> memref<64x1000xf32, #tpu.memory_space<hbm>>
      %dma_start3A_347 = arith.constant 0 : i32
      %dma_start3A_348 = tpu.memref_slice %arg3[%add3A_157, %dma_start3A_347] : memref<16384x1000xf32, #tpu.memory_space<hbm>> -> memref<64x1000xf32, #tpu.memory_space<hbm>>
      tpu.enqueue_dma source(%arg5 : memref<64x1000xf32, #tpu.memory_space<vmem>>) target(%dma_start3A_348 : memref<64x1000xf32, #tpu.memory_space<hbm>>) target_semaphore(%run_scoped3A : memref<!tpu.dma_semaphore, #tpu.memory_space<semaphore_mem>>)
      %dma_wait3A = arith.constant 0 : i32
      %dma_wait3A_349 = tpu.memref_slice %arg3[%add3A_157, %dma_wait3A] : memref<16384x1000xf32, #tpu.memory_space<hbm>> -> memref<64x1000xf32, #tpu.memory_space<hbm>>
      %dma_wait3A_350 = arith.constant 0 : i32
      %dma_wait3A_351 = tpu.memref_slice %arg3[%add3A_157, %dma_wait3A_350] : memref<16384x1000xf32, #tpu.memory_space<hbm>> -> memref<64x1000xf32, #tpu.memory_space<hbm>>
      tpu.wait_dma2 semaphore(%run_scoped3A : memref<!tpu.dma_semaphore, #tpu.memory_space<semaphore_mem>>) src(%arg5 : memref<64x1000xf32, #tpu.memory_space<vmem>>) dst(%dma_wait3A_351 : memref<64x1000xf32, #tpu.memory_space<hbm>>)
      tpu.yield
    }) : () -> ()
    %get3A_158 = arith.constant 192 : index
    %get3A_159 = tpu.vector_load %arg4[%get3A_158] {strides = array<i32>} : memref<512xi32, #tpu.memory_space<vmem>>, vector<16xi32>,
    %add3A_160 = arith.constant 0 : i32
    %add3A_161 = vector.broadcast %add3A_160 : i32 to vector<16xi32>
    %add3A_162 = arith.addi %iota3A, %add3A_161 : vector<16xi32>
    tpu.vector_store_idx %arg5[%add3A_162, %get3A_159], %broadcast_in_dim3A_3 : memref<64x1000xf32, #tpu.memory_space<vmem>>[vector<16xi32>, vector<16xi32>], vector<16xf32>,
    %get3A_163 = arith.constant 208 : index
    %get3A_164 = tpu.vector_load %arg4[%get3A_163] {strides = array<i32>} : memref<512xi32, #tpu.memory_space<vmem>>, vector<16xi32>,
    %add3A_165 = arith.constant 16 : i32
    %add3A_166 = vector.broadcast %add3A_165 : i32 to vector<16xi32>
    %add3A_167 = arith.addi %iota3A, %add3A_166 : vector<16xi32>
    tpu.vector_store_idx %arg5[%add3A_167, %get3A_164], %broadcast_in_dim3A_3 : memref<64x1000xf32, #tpu.memory_space<vmem>>[vector<16xi32>, vector<16xi32>], vector<16xf32>,
    %get3A_168 = arith.constant 224 : index
    %get3A_169 = tpu.vector_load %arg4[%get3A_168] {strides = array<i32>} : memref<512xi32, #tpu.memory_space<vmem>>, vector<16xi32>,
    %add3A_170 = arith.constant 32 : i32
    %add3A_171 = vector.broadcast %add3A_170 : i32 to vector<16xi32>
    %add3A_172 = arith.addi %iota3A, %add3A_171 : vector<16xi32>
    tpu.vector_store_idx %arg5[%add3A_172, %get3A_169], %broadcast_in_dim3A_3 : memref<64x1000xf32, #tpu.memory_space<vmem>>[vector<16xi32>, vector<16xi32>], vector<16xf32>,
    %get3A_173 = arith.constant 240 : index
    %get3A_174 = tpu.vector_load %arg4[%get3A_173] {strides = array<i32>} : memref<512xi32, #tpu.memory_space<vmem>>, vector<16xi32>,
    %add3A_175 = arith.constant 48 : i32
    %add3A_176 = vector.broadcast %add3A_175 : i32 to vector<16xi32>
    %add3A_177 = arith.addi %iota3A, %add3A_176 : vector<16xi32>
    tpu.vector_store_idx %arg5[%add3A_177, %get3A_174], %broadcast_in_dim3A_3 : memref<64x1000xf32, #tpu.memory_space<vmem>>[vector<16xi32>, vector<16xi32>], vector<16xf32>,
    %get3A_178 = arith.constant 256 : index
    %get3A_179 = tpu.vector_load %arg4[%get3A_178] {strides = array<i32>} : memref<512xi32, #tpu.memory_space<vmem>>, vector<16xi32>,
    %add3A_180 = arith.constant 0 : i32
    %add3A_181 = vector.broadcast %add3A_180 : i32 to vector<16xi32>
    %add3A_182 = arith.addi %iota3A, %add3A_181 : vector<16xi32>
    tpu.vector_store_idx %arg5[%add3A_182, %get3A_179], %broadcast_in_dim3A_10 : memref<64x1000xf32, #tpu.memory_space<vmem>>[vector<16xi32>, vector<16xi32>], vector<16xf32>,
    %get3A_183 = arith.constant 272 : index
    %get3A_184 = tpu.vector_load %arg4[%get3A_183] {strides = array<i32>} : memref<512xi32, #tpu.memory_space<vmem>>, vector<16xi32>,
    %add3A_185 = arith.constant 16 : i32
    %add3A_186 = vector.broadcast %add3A_185 : i32 to vector<16xi32>
    %add3A_187 = arith.addi %iota3A, %add3A_186 : vector<16xi32>
    tpu.vector_store_idx %arg5[%add3A_187, %get3A_184], %broadcast_in_dim3A_10 : memref<64x1000xf32, #tpu.memory_space<vmem>>[vector<16xi32>, vector<16xi32>], vector<16xf32>,
    %get3A_188 = arith.constant 288 : index
    %get3A_189 = tpu.vector_load %arg4[%get3A_188] {strides = array<i32>} : memref<512xi32, #tpu.memory_space<vmem>>, vector<16xi32>,
    %add3A_190 = arith.constant 32 : i32
    %add3A_191 = vector.broadcast %add3A_190 : i32 to vector<16xi32>
    %add3A_192 = arith.addi %iota3A, %add3A_191 : vector<16xi32>
    tpu.vector_store_idx %arg5[%add3A_192, %get3A_189], %broadcast_in_dim3A_10 : memref<64x1000xf32, #tpu.memory_space<vmem>>[vector<16xi32>, vector<16xi32>], vector<16xf32>,
    %get3A_193 = arith.constant 304 : index
    %get3A_194 = tpu.vector_load %arg4[%get3A_193] {strides = array<i32>} : memref<512xi32, #tpu.memory_space<vmem>>, vector<16xi32>,
    %add3A_195 = arith.constant 48 : i32
    %add3A_196 = vector.broadcast %add3A_195 : i32 to vector<16xi32>
    %add3A_197 = arith.addi %iota3A, %add3A_196 : vector<16xi32>
    tpu.vector_store_idx %arg5[%add3A_197, %get3A_194], %broadcast_in_dim3A_10 : memref<64x1000xf32, #tpu.memory_space<vmem>>[vector<16xi32>, vector<16xi32>], vector<16xf32>,
    %add3A_198 = arith.constant 256 : i32
    %add3A_199 = arith.addi %mul3A_2, %add3A_198 : i32
    "tpu.region"() ({
      %run_scoped3A = tpu.sem_alloc : memref<!tpu.dma_semaphore, #tpu.memory_space<semaphore_mem>>
      %dma_start3A = arith.constant 0 : i32
      %dma_start3A_346 = tpu.memref_slice %arg3[%add3A_199, %dma_start3A] : memref<16384x1000xf32, #tpu.memory_space<hbm>> -> memref<64x1000xf32, #tpu.memory_space<hbm>>
      %dma_start3A_347 = arith.constant 0 : i32
      %dma_start3A_348 = tpu.memref_slice %arg3[%add3A_199, %dma_start3A_347] : memref<16384x1000xf32, #tpu.memory_space<hbm>> -> memref<64x1000xf32, #tpu.memory_space<hbm>>
      tpu.enqueue_dma source(%arg5 : memref<64x1000xf32, #tpu.memory_space<vmem>>) target(%dma_start3A_348 : memref<64x1000xf32, #tpu.memory_space<hbm>>) target_semaphore(%run_scoped3A : memref<!tpu.dma_semaphore, #tpu.memory_space<semaphore_mem>>)
      %dma_wait3A = arith.constant 0 : i32
      %dma_wait3A_349 = tpu.memref_slice %arg3[%add3A_199, %dma_wait3A] : memref<16384x1000xf32, #tpu.memory_space<hbm>> -> memref<64x1000xf32, #tpu.memory_space<hbm>>
      %dma_wait3A_350 = arith.constant 0 : i32
      %dma_wait3A_351 = tpu.memref_slice %arg3[%add3A_199, %dma_wait3A_350] : memref<16384x1000xf32, #tpu.memory_space<hbm>> -> memref<64x1000xf32, #tpu.memory_space<hbm>>
      tpu.wait_dma2 semaphore(%run_scoped3A : memref<!tpu.dma_semaphore, #tpu.memory_space<semaphore_mem>>) src(%arg5 : memref<64x1000xf32, #tpu.memory_space<vmem>>) dst(%dma_wait3A_351 : memref<64x1000xf32, #tpu.memory_space<hbm>>)
      tpu.yield
    }) : () -> ()
    %get3A_200 = arith.constant 256 : index
    %get3A_201 = tpu.vector_load %arg4[%get3A_200] {strides = array<i32>} : memref<512xi32, #tpu.memory_space<vmem>>, vector<16xi32>,
    %add3A_202 = arith.constant 0 : i32
    %add3A_203 = vector.broadcast %add3A_202 : i32 to vector<16xi32>
    %add3A_204 = arith.addi %iota3A, %add3A_203 : vector<16xi32>
    tpu.vector_store_idx %arg5[%add3A_204, %get3A_201], %broadcast_in_dim3A_3 : memref<64x1000xf32, #tpu.memory_space<vmem>>[vector<16xi32>, vector<16xi32>], vector<16xf32>,
    %get3A_205 = arith.constant 272 : index
    %get3A_206 = tpu.vector_load %arg4[%get3A_205] {strides = array<i32>} : memref<512xi32, #tpu.memory_space<vmem>>, vector<16xi32>,
    %add3A_207 = arith.constant 16 : i32
    %add3A_208 = vector.broadcast %add3A_207 : i32 to vector<16xi32>
    %add3A_209 = arith.addi %iota3A, %add3A_208 : vector<16xi32>
    tpu.vector_store_idx %arg5[%add3A_209, %get3A_206], %broadcast_in_dim3A_3 : memref<64x1000xf32, #tpu.memory_space<vmem>>[vector<16xi32>, vector<16xi32>], vector<16xf32>,
    %get3A_210 = arith.constant 288 : index
    %get3A_211 = tpu.vector_load %arg4[%get3A_210] {strides = array<i32>} : memref<512xi32, #tpu.memory_space<vmem>>, vector<16xi32>,
    %add3A_212 = arith.constant 32 : i32
    %add3A_213 = vector.broadcast %add3A_212 : i32 to vector<16xi32>
    %add3A_214 = arith.addi %iota3A, %add3A_213 : vector<16xi32>
    tpu.vector_store_idx %arg5[%add3A_214, %get3A_211], %broadcast_in_dim3A_3 : memref<64x1000xf32, #tpu.memory_space<vmem>>[vector<16xi32>, vector<16xi32>], vector<16xf32>,
    %get3A_215 = arith.constant 304 : index
    %get3A_216 = tpu.vector_load %arg4[%get3A_215] {strides = array<i32>} : memref<512xi32, #tpu.memory_space<vmem>>, vector<16xi32>,
    %add3A_217 = arith.constant 48 : i32
    %add3A_218 = vector.broadcast %add3A_217 : i32 to vector<16xi32>
    %add3A_219 = arith.addi %iota3A, %add3A_218 : vector<16xi32>
    tpu.vector_store_idx %arg5[%add3A_219, %get3A_216], %broadcast_in_dim3A_3 : memref<64x1000xf32, #tpu.memory_space<vmem>>[vector<16xi32>, vector<16xi32>], vector<16xf32>,
    %get3A_220 = arith.constant 320 : index
    %get3A_221 = tpu.vector_load %arg4[%get3A_220] {strides = array<i32>} : memref<512xi32, #tpu.memory_space<vmem>>, vector<16xi32>,
    %add3A_222 = arith.constant 0 : i32
    %add3A_223 = vector.broadcast %add3A_222 : i32 to vector<16xi32>
    %add3A_224 = arith.addi %iota3A, %add3A_223 : vector<16xi32>
    tpu.vector_store_idx %arg5[%add3A_224, %get3A_221], %broadcast_in_dim3A_10 : memref<64x1000xf32, #tpu.memory_space<vmem>>[vector<16xi32>, vector<16xi32>], vector<16xf32>,
    %get3A_225 = arith.constant 336 : index
    %get3A_226 = tpu.vector_load %arg4[%get3A_225] {strides = array<i32>} : memref<512xi32, #tpu.memory_space<vmem>>, vector<16xi32>,
    %add3A_227 = arith.constant 16 : i32
    %add3A_228 = vector.broadcast %add3A_227 : i32 to vector<16xi32>
    %add3A_229 = arith.addi %iota3A, %add3A_228 : vector<16xi32>
    tpu.vector_store_idx %arg5[%add3A_229, %get3A_226], %broadcast_in_dim3A_10 : memref<64x1000xf32, #tpu.memory_space<vmem>>[vector<16xi32>, vector<16xi32>], vector<16xf32>,
    %get3A_230 = arith.constant 352 : index
    %get3A_231 = tpu.vector_load %arg4[%get3A_230] {strides = array<i32>} : memref<512xi32, #tpu.memory_space<vmem>>, vector<16xi32>,
    %add3A_232 = arith.constant 32 : i32
    %add3A_233 = vector.broadcast %add3A_232 : i32 to vector<16xi32>
    %add3A_234 = arith.addi %iota3A, %add3A_233 : vector<16xi32>
    tpu.vector_store_idx %arg5[%add3A_234, %get3A_231], %broadcast_in_dim3A_10 : memref<64x1000xf32, #tpu.memory_space<vmem>>[vector<16xi32>, vector<16xi32>], vector<16xf32>,
    %get3A_235 = arith.constant 368 : index
    %get3A_236 = tpu.vector_load %arg4[%get3A_235] {strides = array<i32>} : memref<512xi32, #tpu.memory_space<vmem>>, vector<16xi32>,
    %add3A_237 = arith.constant 48 : i32
    %add3A_238 = vector.broadcast %add3A_237 : i32 to vector<16xi32>
    %add3A_239 = arith.addi %iota3A, %add3A_238 : vector<16xi32>
    tpu.vector_store_idx %arg5[%add3A_239, %get3A_236], %broadcast_in_dim3A_10 : memref<64x1000xf32, #tpu.memory_space<vmem>>[vector<16xi32>, vector<16xi32>], vector<16xf32>,
    %add3A_240 = arith.constant 320 : i32
    %add3A_241 = arith.addi %mul3A_2, %add3A_240 : i32
    "tpu.region"() ({
      %run_scoped3A = tpu.sem_alloc : memref<!tpu.dma_semaphore, #tpu.memory_space<semaphore_mem>>
      %dma_start3A = arith.constant 0 : i32
      %dma_start3A_346 = tpu.memref_slice %arg3[%add3A_241, %dma_start3A] : memref<16384x1000xf32, #tpu.memory_space<hbm>> -> memref<64x1000xf32, #tpu.memory_space<hbm>>
      %dma_start3A_347 = arith.constant 0 : i32
      %dma_start3A_348 = tpu.memref_slice %arg3[%add3A_241, %dma_start3A_347] : memref<16384x1000xf32, #tpu.memory_space<hbm>> -> memref<64x1000xf32, #tpu.memory_space<hbm>>
      tpu.enqueue_dma source(%arg5 : memref<64x1000xf32, #tpu.memory_space<vmem>>) target(%dma_start3A_348 : memref<64x1000xf32, #tpu.memory_space<hbm>>) target_semaphore(%run_scoped3A : memref<!tpu.dma_semaphore, #tpu.memory_space<semaphore_mem>>)
      %dma_wait3A = arith.constant 0 : i32
      %dma_wait3A_349 = tpu.memref_slice %arg3[%add3A_241, %dma_wait3A] : memref<16384x1000xf32, #tpu.memory_space<hbm>> -> memref<64x1000xf32, #tpu.memory_space<hbm>>
      %dma_wait3A_350 = arith.constant 0 : i32
      %dma_wait3A_351 = tpu.memref_slice %arg3[%add3A_241, %dma_wait3A_350] : memref<16384x1000xf32, #tpu.memory_space<hbm>> -> memref<64x1000xf32, #tpu.memory_space<hbm>>
      tpu.wait_dma2 semaphore(%run_scoped3A : memref<!tpu.dma_semaphore, #tpu.memory_space<semaphore_mem>>) src(%arg5 : memref<64x1000xf32, #tpu.memory_space<vmem>>) dst(%dma_wait3A_351 : memref<64x1000xf32, #tpu.memory_space<hbm>>)
      tpu.yield
    }) : () -> ()
    %get3A_242 = arith.constant 320 : index
    %get3A_243 = tpu.vector_load %arg4[%get3A_242] {strides = array<i32>} : memref<512xi32, #tpu.memory_space<vmem>>, vector<16xi32>,
    %add3A_244 = arith.constant 0 : i32
    %add3A_245 = vector.broadcast %add3A_244 : i32 to vector<16xi32>
    %add3A_246 = arith.addi %iota3A, %add3A_245 : vector<16xi32>
    tpu.vector_store_idx %arg5[%add3A_246, %get3A_243], %broadcast_in_dim3A_3 : memref<64x1000xf32, #tpu.memory_space<vmem>>[vector<16xi32>, vector<16xi32>], vector<16xf32>,
    %get3A_247 = arith.constant 336 : index
    %get3A_248 = tpu.vector_load %arg4[%get3A_247] {strides = array<i32>} : memref<512xi32, #tpu.memory_space<vmem>>, vector<16xi32>,
    %add3A_249 = arith.constant 16 : i32
    %add3A_250 = vector.broadcast %add3A_249 : i32 to vector<16xi32>
    %add3A_251 = arith.addi %iota3A, %add3A_250 : vector<16xi32>
    tpu.vector_store_idx %arg5[%add3A_251, %get3A_248], %broadcast_in_dim3A_3 : memref<64x1000xf32, #tpu.memory_space<vmem>>[vector<16xi32>, vector<16xi32>], vector<16xf32>,
    %get3A_252 = arith.constant 352 : index
    %get3A_253 = tpu.vector_load %arg4[%get3A_252] {strides = array<i32>} : memref<512xi32, #tpu.memory_space<vmem>>, vector<16xi32>,
    %add3A_254 = arith.constant 32 : i32
    %add3A_255 = vector.broadcast %add3A_254 : i32 to vector<16xi32>
    %add3A_256 = arith.addi %iota3A, %add3A_255 : vector<16xi32>
    tpu.vector_store_idx %arg5[%add3A_256, %get3A_253], %broadcast_in_dim3A_3 : memref<64x1000xf32, #tpu.memory_space<vmem>>[vector<16xi32>, vector<16xi32>], vector<16xf32>,
    %get3A_257 = arith.constant 368 : index
    %get3A_258 = tpu.vector_load %arg4[%get3A_257] {strides = array<i32>} : memref<512xi32, #tpu.memory_space<vmem>>, vector<16xi32>,
    %add3A_259 = arith.constant 48 : i32
    %add3A_260 = vector.broadcast %add3A_259 : i32 to vector<16xi32>
    %add3A_261 = arith.addi %iota3A, %add3A_260 : vector<16xi32>
    tpu.vector_store_idx %arg5[%add3A_261, %get3A_258], %broadcast_in_dim3A_3 : memref<64x1000xf32, #tpu.memory_space<vmem>>[vector<16xi32>, vector<16xi32>], vector<16xf32>,
    %get3A_262 = arith.constant 384 : index
    %get3A_263 = tpu.vector_load %arg4[%get3A_262] {strides = array<i32>} : memref<512xi32, #tpu.memory_space<vmem>>, vector<16xi32>,
    %add3A_264 = arith.constant 0 : i32
    %add3A_265 = vector.broadcast %add3A_264 : i32 to vector<16xi32>
    %add3A_266 = arith.addi %iota3A, %add3A_265 : vector<16xi32>
    tpu.vector_store_idx %arg5[%add3A_266, %get3A_263], %broadcast_in_dim3A_10 : memref<64x1000xf32, #tpu.memory_space<vmem>>[vector<16xi32>, vector<16xi32>], vector<16xf32>,
    %get3A_267 = arith.constant 400 : index
    %get3A_268 = tpu.vector_load %arg4[%get3A_267] {strides = array<i32>} : memref<512xi32, #tpu.memory_space<vmem>>, vector<16xi32>,
    %add3A_269 = arith.constant 16 : i32
    %add3A_270 = vector.broadcast %add3A_269 : i32 to vector<16xi32>
    %add3A_271 = arith.addi %iota3A, %add3A_270 : vector<16xi32>
    tpu.vector_store_idx %arg5[%add3A_271, %get3A_268], %broadcast_in_dim3A_10 : memref<64x1000xf32, #tpu.memory_space<vmem>>[vector<16xi32>, vector<16xi32>], vector<16xf32>,
    %get3A_272 = arith.constant 416 : index
    %get3A_273 = tpu.vector_load %arg4[%get3A_272] {strides = array<i32>} : memref<512xi32, #tpu.memory_space<vmem>>, vector<16xi32>,
    %add3A_274 = arith.constant 32 : i32
    %add3A_275 = vector.broadcast %add3A_274 : i32 to vector<16xi32>
    %add3A_276 = arith.addi %iota3A, %add3A_275 : vector<16xi32>
    tpu.vector_store_idx %arg5[%add3A_276, %get3A_273], %broadcast_in_dim3A_10 : memref<64x1000xf32, #tpu.memory_space<vmem>>[vector<16xi32>, vector<16xi32>], vector<16xf32>,
    %get3A_277 = arith.constant 432 : index
    %get3A_278 = tpu.vector_load %arg4[%get3A_277] {strides = array<i32>} : memref<512xi32, #tpu.memory_space<vmem>>, vector<16xi32>,
    %add3A_279 = arith.constant 48 : i32
    %add3A_280 = vector.broadcast %add3A_279 : i32 to vector<16xi32>
    %add3A_281 = arith.addi %iota3A, %add3A_280 : vector<16xi32>
    tpu.vector_store_idx %arg5[%add3A_281, %get3A_278], %broadcast_in_dim3A_10 : memref<64x1000xf32, #tpu.memory_space<vmem>>[vector<16xi32>, vector<16xi32>], vector<16xf32>,
    %add3A_282 = arith.constant 384 : i32
    %add3A_283 = arith.addi %mul3A_2, %add3A_282 : i32
    "tpu.region"() ({
      %run_scoped3A = tpu.sem_alloc : memref<!tpu.dma_semaphore, #tpu.memory_space<semaphore_mem>>
      %dma_start3A = arith.constant 0 : i32
      %dma_start3A_346 = tpu.memref_slice %arg3[%add3A_283, %dma_start3A] : memref<16384x1000xf32, #tpu.memory_space<hbm>> -> memref<64x1000xf32, #tpu.memory_space<hbm>>
      %dma_start3A_347 = arith.constant 0 : i32
      %dma_start3A_348 = tpu.memref_slice %arg3[%add3A_283, %dma_start3A_347] : memref<16384x1000xf32, #tpu.memory_space<hbm>> -> memref<64x1000xf32, #tpu.memory_space<hbm>>
      tpu.enqueue_dma source(%arg5 : memref<64x1000xf32, #tpu.memory_space<vmem>>) target(%dma_start3A_348 : memref<64x1000xf32, #tpu.memory_space<hbm>>) target_semaphore(%run_scoped3A : memref<!tpu.dma_semaphore, #tpu.memory_space<semaphore_mem>>)
      %dma_wait3A = arith.constant 0 : i32
      %dma_wait3A_349 = tpu.memref_slice %arg3[%add3A_283, %dma_wait3A] : memref<16384x1000xf32, #tpu.memory_space<hbm>> -> memref<64x1000xf32, #tpu.memory_space<hbm>>
      %dma_wait3A_350 = arith.constant 0 : i32
      %dma_wait3A_351 = tpu.memref_slice %arg3[%add3A_283, %dma_wait3A_350] : memref<16384x1000xf32, #tpu.memory_space<hbm>> -> memref<64x1000xf32, #tpu.memory_space<hbm>>
      tpu.wait_dma2 semaphore(%run_scoped3A : memref<!tpu.dma_semaphore, #tpu.memory_space<semaphore_mem>>) src(%arg5 : memref<64x1000xf32, #tpu.memory_space<vmem>>) dst(%dma_wait3A_351 : memref<64x1000xf32, #tpu.memory_space<hbm>>)
      tpu.yield
    }) : () -> ()
    %get3A_284 = arith.constant 384 : index
    %get3A_285 = tpu.vector_load %arg4[%get3A_284] {strides = array<i32>} : memref<512xi32, #tpu.memory_space<vmem>>, vector<16xi32>,
    %add3A_286 = arith.constant 0 : i32
    %add3A_287 = vector.broadcast %add3A_286 : i32 to vector<16xi32>
    %add3A_288 = arith.addi %iota3A, %add3A_287 : vector<16xi32>
    tpu.vector_store_idx %arg5[%add3A_288, %get3A_285], %broadcast_in_dim3A_3 : memref<64x1000xf32, #tpu.memory_space<vmem>>[vector<16xi32>, vector<16xi32>], vector<16xf32>,
    %get3A_289 = arith.constant 400 : index
    %get3A_290 = tpu.vector_load %arg4[%get3A_289] {strides = array<i32>} : memref<512xi32, #tpu.memory_space<vmem>>, vector<16xi32>,
    %add3A_291 = arith.constant 16 : i32
    %add3A_292 = vector.broadcast %add3A_291 : i32 to vector<16xi32>
    %add3A_293 = arith.addi %iota3A, %add3A_292 : vector<16xi32>
    tpu.vector_store_idx %arg5[%add3A_293, %get3A_290], %broadcast_in_dim3A_3 : memref<64x1000xf32, #tpu.memory_space<vmem>>[vector<16xi32>, vector<16xi32>], vector<16xf32>,
    %get3A_294 = arith.constant 416 : index
    %get3A_295 = tpu.vector_load %arg4[%get3A_294] {strides = array<i32>} : memref<512xi32, #tpu.memory_space<vmem>>, vector<16xi32>,
    %add3A_296 = arith.constant 32 : i32
    %add3A_297 = vector.broadcast %add3A_296 : i32 to vector<16xi32>
    %add3A_298 = arith.addi %iota3A, %add3A_297 : vector<16xi32>
    tpu.vector_store_idx %arg5[%add3A_298, %get3A_295], %broadcast_in_dim3A_3 : memref<64x1000xf32, #tpu.memory_space<vmem>>[vector<16xi32>, vector<16xi32>], vector<16xf32>,
    %get3A_299 = arith.constant 432 : index
    %get3A_300 = tpu.vector_load %arg4[%get3A_299] {strides = array<i32>} : memref<512xi32, #tpu.memory_space<vmem>>, vector<16xi32>,
    %add3A_301 = arith.constant 48 : i32
    %add3A_302 = vector.broadcast %add3A_301 : i32 to vector<16xi32>
    %add3A_303 = arith.addi %iota3A, %add3A_302 : vector<16xi32>
    tpu.vector_store_idx %arg5[%add3A_303, %get3A_300], %broadcast_in_dim3A_3 : memref<64x1000xf32, #tpu.memory_space<vmem>>[vector<16xi32>, vector<16xi32>], vector<16xf32>,
    %get3A_304 = arith.constant 448 : index
    %get3A_305 = tpu.vector_load %arg4[%get3A_304] {strides = array<i32>} : memref<512xi32, #tpu.memory_space<vmem>>, vector<16xi32>,
    %add3A_306 = arith.constant 0 : i32
    %add3A_307 = vector.broadcast %add3A_306 : i32 to vector<16xi32>
    %add3A_308 = arith.addi %iota3A, %add3A_307 : vector<16xi32>
    tpu.vector_store_idx %arg5[%add3A_308, %get3A_305], %broadcast_in_dim3A_10 : memref<64x1000xf32, #tpu.memory_space<vmem>>[vector<16xi32>, vector<16xi32>], vector<16xf32>,
    %get3A_309 = arith.constant 464 : index
    %get3A_310 = tpu.vector_load %arg4[%get3A_309] {strides = array<i32>} : memref<512xi32, #tpu.memory_space<vmem>>, vector<16xi32>,
    %add3A_311 = arith.constant 16 : i32
    %add3A_312 = vector.broadcast %add3A_311 : i32 to vector<16xi32>
    %add3A_313 = arith.addi %iota3A, %add3A_312 : vector<16xi32>
    tpu.vector_store_idx %arg5[%add3A_313, %get3A_310], %broadcast_in_dim3A_10 : memref<64x1000xf32, #tpu.memory_space<vmem>>[vector<16xi32>, vector<16xi32>], vector<16xf32>,
    %get3A_314 = arith.constant 480 : index
    %get3A_315 = tpu.vector_load %arg4[%get3A_314] {strides = array<i32>} : memref<512xi32, #tpu.memory_space<vmem>>, vector<16xi32>,
    %add3A_316 = arith.constant 32 : i32
    %add3A_317 = vector.broadcast %add3A_316 : i32 to vector<16xi32>
    %add3A_318 = arith.addi %iota3A, %add3A_317 : vector<16xi32>
    tpu.vector_store_idx %arg5[%add3A_318, %get3A_315], %broadcast_in_dim3A_10 : memref<64x1000xf32, #tpu.memory_space<vmem>>[vector<16xi32>, vector<16xi32>], vector<16xf32>,
    %get3A_319 = arith.constant 496 : index
    %get3A_320 = tpu.vector_load %arg4[%get3A_319] {strides = array<i32>} : memref<512xi32, #tpu.memory_space<vmem>>, vector<16xi32>,
    %add3A_321 = arith.constant 48 : i32
    %add3A_322 = vector.broadcast %add3A_321 : i32 to vector<16xi32>
    %add3A_323 = arith.addi %iota3A, %add3A_322 : vector<16xi32>
    tpu.vector_store_idx %arg5[%add3A_323, %get3A_320], %broadcast_in_dim3A_10 : memref<64x1000xf32, #tpu.memory_space<vmem>>[vector<16xi32>, vector<16xi32>], vector<16xf32>,
    %add3A_324 = arith.constant 448 : i32
    %add3A_325 = arith.addi %mul3A_2, %add3A_324 : i32
    "tpu.region"() ({
      %run_scoped3A = tpu.sem_alloc : memref<!tpu.dma_semaphore, #tpu.memory_space<semaphore_mem>>
      %dma_start3A = arith.constant 0 : i32
      %dma_start3A_346 = tpu.memref_slice %arg3[%add3A_325, %dma_start3A] : memref<16384x1000xf32, #tpu.memory_space<hbm>> -> memref<64x1000xf32, #tpu.memory_space<hbm>>
      %dma_start3A_347 = arith.constant 0 : i32
      %dma_start3A_348 = tpu.memref_slice %arg3[%add3A_325, %dma_start3A_347] : memref<16384x1000xf32, #tpu.memory_space<hbm>> -> memref<64x1000xf32, #tpu.memory_space<hbm>>
      tpu.enqueue_dma source(%arg5 : memref<64x1000xf32, #tpu.memory_space<vmem>>) target(%dma_start3A_348 : memref<64x1000xf32, #tpu.memory_space<hbm>>) target_semaphore(%run_scoped3A : memref<!tpu.dma_semaphore, #tpu.memory_space<semaphore_mem>>)
      %dma_wait3A = arith.constant 0 : i32
      %dma_wait3A_349 = tpu.memref_slice %arg3[%add3A_325, %dma_wait3A] : memref<16384x1000xf32, #tpu.memory_space<hbm>> -> memref<64x1000xf32, #tpu.memory_space<hbm>>
      %dma_wait3A_350 = arith.constant 0 : i32
      %dma_wait3A_351 = tpu.memref_slice %arg3[%add3A_325, %dma_wait3A_350] : memref<16384x1000xf32, #tpu.memory_space<hbm>> -> memref<64x1000xf32, #tpu.memory_space<hbm>>
      tpu.wait_dma2 semaphore(%run_scoped3A : memref<!tpu.dma_semaphore, #tpu.memory_space<semaphore_mem>>) src(%arg5 : memref<64x1000xf32, #tpu.memory_space<vmem>>) dst(%dma_wait3A_351 : memref<64x1000xf32, #tpu.memory_space<hbm>>)
      tpu.yield
    }) : () -> ()
    %get3A_326 = arith.constant 448 : index
    %get3A_327 = tpu.vector_load %arg4[%get3A_326] {strides = array<i32>} : memref<512xi32, #tpu.memory_space<vmem>>, vector<16xi32>,
    %add3A_328 = arith.constant 0 : i32
    %add3A_329 = vector.broadcast %add3A_328 : i32 to vector<16xi32>
    %add3A_330 = arith.addi %iota3A, %add3A_329 : vector<16xi32>
    tpu.vector_store_idx %arg5[%add3A_330, %get3A_327], %broadcast_in_dim3A_3 : memref<64x1000xf32, #tpu.memory_space<vmem>>[vector<16xi32>, vector<16xi32>], vector<16xf32>,
    %get3A_331 = arith.constant 464 : index
    %get3A_332 = tpu.vector_load %arg4[%get3A_331] {strides = array<i32>} : memref<512xi32, #tpu.memory_space<vmem>>, vector<16xi32>,
    %add3A_333 = arith.constant 16 : i32
    %add3A_334 = vector.broadcast %add3A_333 : i32 to vector<16xi32>
    %add3A_335 = arith.addi %iota3A, %add3A_334 : vector<16xi32>
    tpu.vector_store_idx %arg5[%add3A_335, %get3A_332], %broadcast_in_dim3A_3 : memref<64x1000xf32, #tpu.memory_space<vmem>>[vector<16xi32>, vector<16xi32>], vector<16xf32>,
    %get3A_336 = arith.constant 480 : index
    %get3A_337 = tpu.vector_load %arg4[%get3A_336] {strides = array<i32>} : memref<512xi32, #tpu.memory_space<vmem>>, vector<16xi32>,
    %add3A_338 = arith.constant 32 : i32
    %add3A_339 = vector.broadcast %add3A_338 : i32 to vector<16xi32>
    %add3A_340 = arith.addi %iota3A, %add3A_339 : vector<16xi32>
    tpu.vector_store_idx %arg5[%add3A_340, %get3A_337], %broadcast_in_dim3A_3 : memref<64x1000xf32, #tpu.memory_space<vmem>>[vector<16xi32>, vector<16xi32>], vector<16xf32>,
    %get3A_341 = arith.constant 496 : index
    %get3A_342 = tpu.vector_load %arg4[%get3A_341] {strides = array<i32>} : memref<512xi32, #tpu.memory_space<vmem>>, vector<16xi32>,
    %add3A_343 = arith.constant 48 : i32
    %add3A_344 = vector.broadcast %add3A_343 : i32 to vector<16xi32>
    %add3A_345 = arith.addi %iota3A, %add3A_344 : vector<16xi32>
    tpu.vector_store_idx %arg5[%add3A_345, %get3A_342], %broadcast_in_dim3A_3 : memref<64x1000xf32, #tpu.memory_space<vmem>>[vector<16xi32>, vector<16xi32>], vector<16xf32>,
    return
  }
}

</mosaic_0001>

<sc_bundles>
// kernel: _onehot_sc.3.cloned.1.call-start
scs
__scs_entry_jumppad:
0x0: {  	(pc) =	sbr.rel $0x88, $3  }
0x1: {  	(tag) =	ssettag $0x0;
	lr =	simm.s32 $0x1  }
0x2: {  	[smem:$0x3FA0] =	sst lr;
	_ =	strace $0xD0000000  }
0x3: {  	_ = 	snop  }
0x4: {  	_ = 	snop  }
0x5: {  	_ = 	snop  }
0x6: {  	_ = 	snop  }
0x7: {  	_ = 	snop  }
__scs_overlays_trampoline_lowered:
0x8: {  	[smem:$0x3FAF] =	sst s0  }
0x9: {  	[smem:$0x3FB0] =	sst s1  }
0xa: {  	[smem:$0x3FB1] =	sst s2  }
0xb: {  	[smem:$0x3FB2] =	sst s3  }
0xc: {  	[smem:$0x3FB3] =	sst s4  }
0xd: {  	[smem:$0x3FB4] =	sst s5  }
0xe: {  	[smem:$0x3FB5] =	sst s6  }
0xf: {  	[smem:$0x3FB6] =	sst s7  }
0x10: {  	[smem:$0x3FB7] =	sst s8  }
0x11: {  	[smem:$0x3FB8] =	sst s9;
	s0 =	simm.s32 @!p0 $0x0  }
0x12: {  	s1 =	sld [smem:$0x3F9E];
	s0 =	simm.s32 @p0 $0x1  }
0x13: {  	[smem:$0x3FB9] =	sst s0;
	s0 =	simm.s32 @!p1 $0x0  }
0x14: {  	s2 =	sld [smem:$0x3F9D];
	s0 =	simm.s32 @p1 $0x1  }
0x15: {  	[smem:$0x3FBA] =	sst s0;
	s0 =	simm.s32 @!p2 $0x0  }
0x16: {  	s3 =	sld [smem:$0x3FDB];
	s0 =	simm.s32 @p2 $0x1  }
0x17: {  	s4 =	simm.s32 $0x1BF5;
	[smem:$0x3FBC] =	sst s0  }
0x18: {  	s0 =	sld [smem:$0x3F9F];
	_ =	swait.ge [sflag:s4], $0x0  }
0x19: {  	s7 =	sld [smem:$0x3FA0]  }
0x1a: {  	s8 =	sadd.s32 $0xFFFFE003, lr  }
0x1b: {  	s9 =	sadd.s32 $0xFFFFFEF7, lr;
	s5 =	simm.s32 $0xFFFFFFFF;
	p2 =	slt.u32 s8, $0xFFFFF086  }
0x1c: {  	p1 =	slt.u32 s9, $0xF7A;
	s5 =	simm.s32 @!p2 $0x0  }
0x1d: {  	s5 =	simm.s32 @p1 $0x1;
	p0 =	seq.s32 s7, s2  }
0x1e: {  	s7 =	smul.u32 @!p0 $0xF7A, s2;
	p2 =	seq.s32 @!p0 s5, $0x0  }
0x1f: {  	s9 =	smul.u32 $0xF7A, s1;
	s8 =	simm.s32 @!p0 $0x1BF5;
	p2 =	por !p2, p0  }
0x20: {  	[sflag:s8] =	ssyncset.s32 @!p0 $0xFFFFF086;
	s6 =	sadd.s32 @!p0 s3, s7;
	s7 =	simm.s32 @!p0 $0x108  }
0x21: {  	s3 =	sadd.s32 s3, s9;
	s6 =	sadd.s32 @!p0 $0x88, s6;
	s7 =	simm.s32 @p2 $0x1082  }
0x22: {  	[simem:s7], [sflag:s8] =	dma.local @!p0 [hbm:s6], $0xF7A  }
0x23: {  	s9 =	sor.u32 $0xD0000000, s2;
	s6 =	simm.s32 $0x108;
	_ =	swait.ge @!p0 [sflag:s8], $0x0  }
0x24: {  	s3 =	sadd.s32 $0x88, s3;
	s6 =	simm.s32 @!p1 $0x1082;
	[sflag:s4] =	ssyncset.s32 $0xFFFFF086  }
0x25: {  	[simem:s6], [sflag:s4] =	dma.local [hbm:s3], $0xF7A  }
0x26: {  	[smem:$0x3FA0] =	sst s1;
	(tag) =	ssettag s2;
	_ =	strace s9  }
0x27: {  	s1 =	sld [smem:$0x3FB0]  }
0x28: {  	s2 =	sld [smem:$0x3FB1]  }
0x29: {  	s4 =	sld [smem:$0x3FB3]  }
0x2a: {  	p0 =	seq.s32 s5, $0x0;
	s5 =	sld [smem:$0x3FB4]  }
0x2b: {  	s6 =	sld [smem:$0x3FB5]  }
0x2c: {  	s7 =	sld [smem:$0x3FB6]  }
0x2d: {  	s3 =	simm.s32 $0x108;
	s8 =	sld [smem:$0x3FB7]  }
0x2e: {  	s3 =	simm.s32 @!p0 $0x1082;
	s9 =	sld [smem:$0x3FB8]  }
0x2f: {  	lr =	sadd.s32 s0, s3;
	s0 =	sld [smem:$0x3FAF]  }
0x30: {  	s3 =	sld [smem:$0x3FB2]  }
0x31: {  	[smem:$0x3FBB] =	sst s10  }
0x32: {  	s10 =	sld [smem:$0x3FB9];
	_ =	sdelay $0x3  }
0x33: {  	p0 =	seq.s32 s10, $0x1;
	s10 =	sld [smem:$0x3FBB];
	_ =	sdelay $0x3  }
0x34: {  	[smem:$0x3FBB] =	sst s10  }
0x35: {  	s10 =	sld [smem:$0x3FBA];
	_ =	sdelay $0x3  }
0x36: {  	p1 =	seq.s32 s10, $0x1;
	s10 =	sld [smem:$0x3FBB];
	_ =	sdelay $0x3  }
0x37: {  	[smem:$0x3FBB] =	sst s10  }
0x38: {  	s10 =	sld [smem:$0x3FBC]  }
0x39: {  	_ = 	snop;
	(pc) =	sbr.ind lr, $3  }
0x3a: {  	_ = 	snop  }
0x3b: {  	_ = 	snop  }
0x3c: {  	p2 =	seq.s32 s10, $0x1;
	s10 =	sld [smem:$0x3FBB]  }
0x3d: {  	_ =	shalt  }
0x3e: {  	_ =	shalt  }
0x3f: {  	_ =	shalt  }
0x40: {  	_ =	shalt  }
0x41: {  	_ =	shalt  }
0x42: {  	_ =	shalt  }
0x43: {  	_ =	shalt  }
0x44: {  	_ =	shalt  }
0x45: {  	_ =	shalt  }
0x46: {  	_ =	shalt  }
0x47: {  	_ =	shalt  }
0x48: {  	_ =	shalt  }
0x49: {  	_ =	shalt  }
0x4a: {  	_ =	shalt  }
0x4b: {  	_ =	shalt  }
0x4c: {  	_ =	shalt  }
0x4d: {  	_ =	shalt  }
0x4e: {  	_ =	shalt  }
0x4f: {  	_ =	shalt  }
0x50: {  	_ =	shalt  }
0x51: {  	_ =	shalt  }
0x52: {  	_ =	shalt  }
0x53: {  	_ =	shalt  }
0x54: {  	_ =	shalt  }
0x55: {  	_ =	shalt  }
0x56: {  	_ =	shalt  }
0x57: {  	_ =	shalt  }
0x58: {  	_ =	shalt  }
0x59: {  	_ =	shalt  }
0x5a: {  	_ =	shalt  }
0x5b: {  	_ =	shalt  }
0x5c: {  	_ =	shalt  }
0x5d: {  	_ =	shalt  }
0x5e: {  	_ =	shalt  }
0x5f: {  	_ =	shalt  }
0x60: {  	_ =	shalt  }
0x61: {  	_ =	shalt  }
0x62: {  	_ =	shalt  }
0x63: {  	_ =	shalt  }
0x64: {  	_ =	shalt  }
0x65: {  	_ =	shalt  }
0x66: {  	_ =	shalt  }
0x67: {  	_ =	shalt  }
0x68: {  	_ =	shalt  }
0x69: {  	_ =	shalt  }
0x6a: {  	_ =	shalt  }
0x6b: {  	_ =	shalt  }
0x6c: {  	_ =	shalt  }
0x6d: {  	_ =	shalt  }
0x6e: {  	_ =	shalt  }
0x6f: {  	_ =	shalt  }
0x70: {  	_ =	shalt  }
0x71: {  	_ =	shalt  }
0x72: {  	_ =	shalt  }
0x73: {  	_ =	shalt  }
0x74: {  	_ =	shalt  }
0x75: {  	_ =	shalt  }
0x76: {  	_ =	shalt  }
0x77: {  	_ =	shalt  }
0x78: {  	_ =	shalt  }
0x79: {  	_ =	shalt  }
0x7a: {  	_ =	shalt  }
0x7b: {  	_ =	shalt  }
0x7c: {  	_ =	shalt  }
0x7d: {  	_ =	shalt  }
0x7e: {  	_ =	shalt  }
0x7f: {  	_ =	shalt  }
0x80: {  	_ =	shalt  }
0x81: {  	_ =	shalt  }
0x82: {  	_ =	shalt  }
0x83: {  	_ =	shalt  }
0x84: {  	_ =	shalt  }
0x85: {  	_ =	shalt  }
0x86: {  	_ =	shalt  }
0x87: {  	_ =	shalt  }
.Lfunc_end0:
.L_simem_size_0:
called_computation_lowered:
.L_overlay_start_0:
0x88: {  	s2 =	sld [smem:$0x3FD9]  }
0x89: {  	s3 =	sld [smem:$0x3FFE];
	_ =	sdelay $0x1  }
0x8a: {  	s1 =	srdreg.scid  }
0x8b: {  	s0 =	sand.u32 $0x1, s1  }
0x8c: {  	s17 =	sshll.u32 s0, $0xA;
	s2 =	sadd.s32 s3, s2  }
0x8d: {  	s2 =	sadd.s32 s2, s17  }
0x8e: {  	[smem:$0x3FC7] =	sst s2  }
0x8f: {  	_ = 	snop  }
0x90: {  	s2 =	sld [smem:$0x3FC9];
	(tm) =	ssettm $0x1  }
0x91: {  	s18 =	sld [smem:$0x3FFB];
	_ =	sdelay $0x3  }
0x92: {  	_ =	strace s18  }
0x93: {  	s3 =	sld [smem:$0x3FFC];
	_ =	sdelay $0x3  }
0x94: {  	_ =	strace s3  }
0x95: {  	s3 =	sld [smem:$0x3FFD];
	_ =	sdelay $0x3  }
0x96: {  	_ =	strace s3  }
0x97: {  	_ =	strace $0x8FFFFFFF  }
0x98: {  	s19 =	sld [smem:$0x3FDB];
	_ =	sdelay $0x1  }
0x99: {  	s4 =	simm.s32 $_scs_section_size  }
0x9a: {  	s5 =	simm.s32 $_size__tile_overlayer_lowered;
	s6 =	simm.s32 $_tile_overlayer_lowered  }
0x9b: {  	s22 =	simm.s32 $0x1BFF;
	s21 =	sshll.u32 s6, $0x1;
	s3 =	sadd.s32 s4, s19  }
0x9c: {  	s7 =	simm.s32 $0x0;
	s20 =	sshll.u32 s5, $0x1;
	s5 =	sadd.s32 s21, s3  }
0x9d: {  	[timem:s7], [sflag:s22] =	dma.local [hbm:s5], s20  }
0x9e: {  	_ =	swait.ge [sflag:s22], s20  }
0x9f: {  	s4 =	ssub.s32 $0x0, s20;
	[sflag:s22] =	ssyncset.done $0x0  }
0xa0: {  	[sflag:s22] =	ssyncadd.s32 s4;
	_ =	sdelay $0x1  }
0xa1: {  	s23 =	simm.s32 $0x1B8B  }
0xa2: {  	_ =	swait.ge [sflag:s23], $0x1  }
0xa3: {  	[sflag:s23] =	ssyncset.done $0x0  }
0xa4: {  	s25 =	simm.s32 $0x1B8E;
	s24 =	sld [smem:$0x3FFE];
	[sflag:s23] =	ssyncadd.s32 $0xFFFFFFFF  }
0xa5: {  	s26 =	simm.s32 $execute0_lowered;
	[smem:$0x3FD2] =	sst s25  }
0xa6: {  	s5 =	sshll.u32 s26, $0x1;
	_ =	strace $0x80000046;
	[dreg:$0x1] =	wrdreg $0xFFFFFFFF  }
0xa7: {  	s28 =	simm.s32 $_size_execute0_lowered;
	s3 =	sadd.s32 s3, s5;
	[dreg:$0x0] =	wrdreg $0x0  }
0xa8: {  	s5 =	sshll.u32 s28, $0x1;
	[dreg:$0x2] =	wrdreg s3  }
0xa9: {  	[dreg:$0x3] =	wrdreg s5  }
0xaa: {  	[dreg:$0x4] =	wrdreg $0xC0  }
0xab: {  	_ =	task [dreg:s7], $0x5FFFF  }
0xac: {  	[dreg:$0x1] =	wrdreg $0xFFFFFFFF  }
0xad: {  	[dreg:$0x0] =	wrdreg $0x60  }
0xae: {  	[dreg:$0x2] =	wrdreg s2  }
0xaf: {  	[dreg:$0x3] =	wrdreg s24  }
0xb0: {  	[dreg:$0x4] =	wrdreg $0x9  }
0xb1: {  	_ =	task.clear_ibuf [dreg:s7], $0x5FFFF;
	_ =	strace $0x90000046  }
0xb2: {  	s29 =	simm.s32 $0x9;
	_ =	strace $0x80000048  }
0xb3: {  	_ =	swait.ge [sflag:s29], $0x1  }
0xb4: {  	[sflag:s29] =	ssyncadd.s32 $0xFFFFFFFF  }
0xb5: {  	_ =	strace $0x90000048  }
0xb6: {  	_ =	sfence  }
0xb7: {  	s30 =	sld [smem:$0x0];
	_ =	sdelay $0x2  }
0xb8: {  	s31 =	sshll.u32 s1, $0xD;
	s1 =	sshrl.u32 s1, $0x2  }
0xb9: {  	s3 =	sand.u32 $0x4000, s31;
	s1 =	sadd.s32 s1, s30  }
0xba: {  	s0 =	sor.u32 s3, s0;
	s1 =	sshll.u32 s1, $0x11  }
0xbb: {  	s0 =	sor.u32 s1, s0  }
0xbc: {  	s0 =	sadd.s32 $0x8F2B, s0  }
0xbd: {  	[sflag:s0] =	ssyncadd.remote.s32 $0x1  }
0xbe: {  	_ =	sfence.sel $0xFFFF  }
0xbf: {  	[dreg:$0x0] =	wrdreg $0xFFFFFFFF;
	(pc) =	sbr.abs _section_cstart, $3  }
0xc0: {  	[dreg:$0x1] =	wrdreg $0xFFFFFFFF  }
0xc1: {  	_ =	task.clear_ibuf [dreg:s7], $0x2FFFF;
	_ =	strace $0x9FFFFFFF  }
0xc2: {  	(tm) =	ssettm $0x7FFFFFFF  }
0xc3: {  	_ =	shalt  }
tec
execute0_lowered:
.L_overlay_start_1:
0x0: {  	(tag) =	ssettag $0x1  }
0x1: {  	v0 =	vimm.s32 $0x2380;
	vm14 =	vcmask $0x300;
	vm13 =	vcmask $0x704  }
0x2: {  	vm12 =	vcmask $0xB08;
	vm11 =	vcmask $0xF0C;
	vm10 =	vcmask $0x1310  }
0x3: {  	vm9 =	vcmask $0x1714;
	vm8 =	vcmask $0x1B18;
	vm7 =	vcmask $0x1F1C  }
0x4: {  	vm6 =	vcmask $0x2320;
	vm5 =	vcmask $0x2724;
	vm4 =	vcmask $0x2B28  }
0x5: {  	vm3 =	vcmask $0x2F2C;
	vm2 =	vcmask $0x3330;
	vm1 =	vcmask $0x3734  }
0x6: {  	vm0 =	vcmask $0x3B38;
	v2 =	vimm.f32 $1.000000000e+00;
	v3 =	vimm.s32 $0x6380  }
0x7: {  	v4 =	vimm.s32 $0xA380;
	v5 =	vimm.s32 $0xE380;
	v0 =	vsel vm14, $0x0, v0  }
0x8: {  	v3 =	vsel vm14, $0x4000, v3;
	v4 =	vsel vm14, $0x8000, v4;
	v5 =	vsel vm14, $0xC000, v5  }
0x9: {  	v0 =	vsel vm13, $0x80, v0;
	v3 =	vsel vm13, $0x4080, v3;
	v4 =	vsel vm13, $0x8080, v4  }
0xa: {  	v5 =	vsel vm13, $0xC080, v5;
	v0 =	vsel vm12, $0x100, v0;
	v3 =	vsel vm12, $0x4100, v3  }
0xb: {  	v4 =	vsel vm12, $0x8100, v4;
	v5 =	vsel vm12, $0xC100, v5;
	v0 =	vsel vm11, $0x180, v0  }
0xc: {  	v3 =	vsel vm11, $0x4180, v3;
	v4 =	vsel vm11, $0x8180, v4;
	v5 =	vsel vm11, $0xC180, v5  }
0xd: {  	v0 =	vsel vm10, $0x200, v0;
	v3 =	vsel vm10, $0x4200, v3;
	v4 =	vsel vm10, $0x8200, v4  }
0xe: {  	v5 =	vsel vm10, $0xC200, v5;
	v0 =	vsel vm9, $0x280, v0;
	v3 =	vsel vm9, $0x4280, v3  }
0xf: {  	v4 =	vsel vm9, $0x8280, v4;
	v5 =	vsel vm9, $0xC280, v5;
	v0 =	vsel vm8, $0x300, v0  }
0x10: {  	s3 =	rddreg [dreg:$0x0];
	v3 =	vsel vm8, $0x4300, v3;
	v4 =	vsel vm8, $0x8300, v4;
	v5 =	vsel vm8, $0xC300, v5  }
0x11: {  	s4 =	rddreg [dreg:$0x1];
	v0 =	vsel vm7, $0x380, v0;
	v3 =	vsel vm7, $0x4380, v3;
	v4 =	vsel vm7, $0x8380, v4  }
0x12: {  	s0 =	rddreg [dreg:$0x2];
	s5 =	srdreg.scid;
	v5 =	vsel vm7, $0xC380, v5;
	v0 =	vsel vm6, $0x2000, v0;
	v3 =	vsel vm6, $0x6000, v3  }
0x13: {  	s2 =	simm.s32 $0x0;
	s1 =	stileid.u32;
	s13 =	simm.s32 $0x1;
	v4 =	vsel vm6, $0xA000, v4;
	v5 =	vsel vm6, $0xE000, v5;
	v0 =	vsel vm5, $0x2080, v0  }
0x14: {  	s14 =	simm.s32 $0x200;
	s15 =	simm.s32 $0x0;
	s5 =	sand.u32 $0x1, s5;
	v3 =	vsel vm5, $0x6080, v3;
	v4 =	vsel vm5, $0xA080, v4;
	v5 =	vsel vm5, $0xE080, v5  }
0x15: {  	[smem:$0x7FF] =	sst s2;
	s6 =	sshll.u32 s1, $0xA;
	s7 =	sshll.u32 s5, $0x9;
	v0 =	vsel vm4, $0x2100, v0;
	v3 =	vsel vm4, $0x6100, v3;
	v4 =	vsel vm4, $0xA100, v4  }
0x16: {  	_ =	strace $0x80000047;
	s5 =	ssub.s32 $0x2, s5;
	s6 =	sor.u32 s7, s6;
	v5 =	vsel vm4, $0xE100, v5;
	v0 =	vsel vm3, $0x2180, v0;
	v3 =	vsel vm3, $0x6180, v3  }
0x17: {  	s8 =	sshrl.u32 s5, $0x1;
	s7 =	sshll.u32 s6, $0x7;
	s6 =	sshrl.u32 s6, $0x3;
	v4 =	vsel vm3, $0xA180, v4;
	v5 =	vsel vm3, $0xE180, v5;
	v0 =	vsel vm2, $0x2200, v0  }
0x18: {  	s12 =	ssub.s32 s5, s8;
	s11 =	sadd.s32 s7, s4;
	s3 =	sadd.s32 s3, s6;
	v3 =	vsel vm2, $0x6200, v3;
	v4 =	vsel vm2, $0xA200, v4;
	v5 =	vsel vm2, $0xE200, v5  }
0x19: {  	s12 =	smax.u32 s12, $0x1;
	s4 =	sadd.s32 $0x400, s11;
	s5 =	sadd.s32 $0x2400, s11;
	v1 =	vsel vm1, $0x2280, v0;
	v0 =	vimm.f32 $0.0e+00;
	v3 =	vsel vm1, $0x6280, v3  }
0x1a: {  	s6 =	sadd.s32 $0x4400, s11;
	s7 =	sadd.s32 $0x6400, s11;
	s8 =	sadd.s32 $0x8400, s11;
	v4 =	vsel vm1, $0xA280, v4;
	v5 =	vsel vm1, $0xE280, v5;
	v1 =	vsel vm0, $0x2300, v1  }
0x1b: {  	s9 =	sadd.s32 $0xA400, s11;
	s10 =	sadd.s32 $0xC400, s11;
	s11 =	sadd.s32 $0xE400, s11;
	v3 =	vsel vm0, $0x6300, v3;
	v4 =	vsel vm0, $0xA300, v4;
	v5 =	vsel vm0, $0xE300, v5  }
.LBB2_1:
0x1c: {  	[tilespmem:s2], [sflag:$0x1] =	stream.linear.gather [hbm4b:s3+s2], $0x200, $0x38;
	[tilespmem:$0x10200] =	vst v63  }
0x1d: {  	_ =	swait.ge [sflag:s13], $0x200  }
0x1e: {  	s16 =	simm.s32 $0xFFFF0000;
	s17 =	simm.s32 $0x0;
	[sflag:s13] =	ssyncset.done $0x0  }
0x1f: {  	s18 =	simm.s32 $0x0;
	s19 =	simm.s32 $0x0;
	[sflag:s13] =	ssyncadd.s32 $0xFFFFFE00  }
.LBB2_2:
0x20: {  	s20 =	sadd.s32 $0x10000, s16  }
0x21: {  	s21 =	sand.u32 $0x380, s19;
	s20 =	sand.u32 $0xE000, s20  }
0x22: {  	s20 =	sor.u32 s21, s20  }
0x23: {  	[tilespmem:s20+$0x200] =	vst v0  }
0x24: {  	[tilespmem:s20+$0x210] =	vst v0  }
0x25: {  	[tilespmem:s20+$0x220] =	vst v0  }
0x26: {  	[tilespmem:s20+$0x230] =	vst v0  }
0x27: {  	[tilespmem:s20+$0x240] =	vst v0  }
0x28: {  	[tilespmem:s20+$0x250] =	vst v0  }
0x29: {  	[tilespmem:s20+$0x260] =	vst v0  }
0x2a: {  	[tilespmem:s20+$0x270] =	vst v0  }
0x2b: {  	[tilespmem:s20+$0x600] =	vst v0  }
0x2c: {  	[tilespmem:s20+$0x610] =	vst v0  }
0x2d: {  	[tilespmem:s20+$0x620] =	vst v0  }
0x2e: {  	[tilespmem:s20+$0x630] =	vst v0  }
0x2f: {  	[tilespmem:s20+$0x640] =	vst v0  }
0x30: {  	[tilespmem:s20+$0x650] =	vst v0  }
0x31: {  	[tilespmem:s20+$0x660] =	vst v0  }
0x32: {  	[tilespmem:s20+$0x670] =	vst v0  }
0x33: {  	[tilespmem:s20+$0xA00] =	vst v0  }
0x34: {  	[tilespmem:s20+$0xA10] =	vst v0  }
0x35: {  	[tilespmem:s20+$0xA20] =	vst v0  }
0x36: {  	[tilespmem:s20+$0xA30] =	vst v0  }
0x37: {  	[tilespmem:s20+$0xA40] =	vst v0  }
0x38: {  	[tilespmem:s20+$0xA50] =	vst v0  }
0x39: {  	[tilespmem:s20+$0xA60] =	vst v0  }
0x3a: {  	[tilespmem:s20+$0xA70] =	vst v0  }
0x3b: {  	[tilespmem:s20+$0xE00] =	vst v0  }
0x3c: {  	[tilespmem:s20+$0xE10] =	vst v0  }
0x3d: {  	[tilespmem:s20+$0xE20] =	vst v0  }
0x3e: {  	[tilespmem:s20+$0xE30] =	vst v0  }
0x3f: {  	[tilespmem:s20+$0xE40] =	vst v0  }
0x40: {  	[tilespmem:s20+$0xE50] =	vst v0  }
0x41: {  	[tilespmem:s20+$0xE60] =	vst v0  }
0x42: {  	[tilespmem:s20+$0xE70] =	vst v0  }
0x43: {  	[tilespmem:s20+$0x1200] =	vst v0  }
0x44: {  	[tilespmem:s20+$0x1210] =	vst v0  }
0x45: {  	[tilespmem:s20+$0x1220] =	vst v0  }
0x46: {  	[tilespmem:s20+$0x1230] =	vst v0  }
0x47: {  	[tilespmem:s20+$0x1240] =	vst v0  }
0x48: {  	[tilespmem:s20+$0x1250] =	vst v0  }
0x49: {  	[tilespmem:s20+$0x1260] =	vst v0  }
0x4a: {  	[tilespmem:s20+$0x1270] =	vst v0  }
0x4b: {  	[tilespmem:s20+$0x1600] =	vst v0  }
0x4c: {  	[tilespmem:s20+$0x1610] =	vst v0  }
0x4d: {  	[tilespmem:s20+$0x1620] =	vst v0  }
0x4e: {  	[tilespmem:s20+$0x1630] =	vst v0  }
0x4f: {  	[tilespmem:s20+$0x1640] =	vst v0  }
0x50: {  	[tilespmem:s20+$0x1650] =	vst v0  }
0x51: {  	[tilespmem:s20+$0x1660] =	vst v0  }
0x52: {  	[tilespmem:s20+$0x1670] =	vst v0  }
0x53: {  	[tilespmem:s20+$0x1A00] =	vst v0  }
0x54: {  	[tilespmem:s20+$0x1A10] =	vst v0  }
0x55: {  	[tilespmem:s20+$0x1A20] =	vst v0  }
0x56: {  	[tilespmem:s20+$0x1A30] =	vst v0  }
0x57: {  	s23 =	sand.u32 $0x7, s17;
	[tilespmem:s20+$0x1A40] =	vst v0  }
0x58: {  	s21 =	sshll.u32 s23, $0x7;
	[tilespmem:s20+$0x1A50] =	vst v0  }
0x59: {  	s21 =	sadd.s32 s21, s18;
	[tilespmem:s20+$0x1A60] =	vst v0  }
0x5a: {  	[tilespmem:s20+$0x1A70] =	vst v0;
	s24 =	sor.u32 $0x1C00, s21  }
0x5b: {  	s25 =	sor.u32 $0x1C10, s21;
	[tilespmem:s24+$0x200] =	vst v0  }
0x5c: {  	p0 =	sne.s32 s19, $0x1F80;
	s26 =	sor.u32 $0x1C20, s21;
	[tilespmem:s25+$0x200] =	vst v0  }
.Ltmp0:
0x5d: {  	s28 =	sor.u32 $0x1C30, s21;
	[tilespmem:s26+$0x200] =	vst v0;
	(pc) =	sbr.rel @p0 .LBB2_2-.Ltmp0, $4  }
0x5e: {  	s29 =	sor.u32 $0x1C40, s21;
	[tilespmem:s28+$0x200] =	vst v0  }
0x5f: {  	s30 =	sor.u32 $0x1C50, s21;
	[tilespmem:s29+$0x200] =	vst v0  }
0x60: {  	s17 =	sadd.s32 $0x1, s17;
	s31 =	sor.u32 $0x1C58, s21;
	[tilespmem:s30+$0x200] =	vst v0  }
0x61: {  	s16 =	sadd.s32 $0x400, s16;
	s19 =	sadd.s32 $0x80, s19;
	s18 =	sadd.s32 $0x400, s18;
	[tilespmem:s31+$0x200] =	vst v0  }
0x62: {  	v6 =	vld [tilespmem:$0x0];
	_ =	sdelay $0x4  }
0x63: {  	v7 =	vshll.u32 v6, $0x3  }
0x64: {  	v6 =	vand.u32 $0x7F, v6;
	v7 =	vand.u32 $0xFFFFFC00, v7  }
0x65: {  	v6 =	vor.u32 v6, v7  }
0x66: {  	v6 =	vadd.s32 v1, v6;
	_ =	sdelay $0x4  }
0x67: {  	[tilespmem:v6+s14+$0x0] =	vst.idx.msk $0xffff, v2  }
0x68: {  	v6 =	vld [tilespmem:$0x10];
	_ =	sdelay $0x4  }
0x69: {  	v7 =	vshll.u32 v6, $0x3  }
0x6a: {  	v6 =	vand.u32 $0x7F, v6;
	v7 =	vand.u32 $0xFFFFFC00, v7  }
0x6b: {  	v6 =	vor.u32 v6, v7  }
0x6c: {  	v6 =	vadd.s32 v3, v6;
	_ =	sdelay $0x4  }
0x6d: {  	[tilespmem:v6+s14+$0x0] =	vst.idx.msk $0xffff, v2  }
0x6e: {  	v6 =	vld [tilespmem:$0x20];
	_ =	sdelay $0x4  }
0x6f: {  	v7 =	vshll.u32 v6, $0x3  }
0x70: {  	v6 =	vand.u32 $0x7F, v6;
	v7 =	vand.u32 $0xFFFFFC00, v7  }
0x71: {  	v6 =	vor.u32 v6, v7  }
0x72: {  	v6 =	vadd.s32 v4, v6;
	_ =	sdelay $0x4  }
0x73: {  	[tilespmem:v6+s14+$0x0] =	vst.idx.msk $0xffff, v2  }
0x74: {  	v6 =	vld [tilespmem:$0x30];
	_ =	sdelay $0x4  }
0x75: {  	v7 =	vshll.u32 v6, $0x3  }
0x76: {  	v6 =	vand.u32 $0x7F, v6;
	v7 =	vand.u32 $0xFFFFFC00, v7  }
0x77: {  	v6 =	vor.u32 v6, v7  }
0x78: {  	v6 =	vadd.s32 v5, v6;
	_ =	sdelay $0x4  }
0x79: {  	[tilespmem:v6+s14+$0x0] =	vst.idx.msk $0xffff, v2  }
0x7a: {  	[hbm4b:s4+s2] =	stream.linear.scatter [tilespmem:s14], [sflag:$0x1], $0x10000, $0x38;
	[tilespmem:$0x10200] =	vst v63  }
0x7b: {  	_ =	swait.ge [sflag:s13], $0x10000  }
0x7c: {  	[sflag:s13] =	ssyncset.done $0x0  }
0x7d: {  	[sflag:s13] =	ssyncadd.s32 $0xFFFF0000  }
0x7e: {  	v6 =	vld [tilespmem:$0x0];
	_ =	sdelay $0x4  }
0x7f: {  	v7 =	vshll.u32 v6, $0x3  }
0x80: {  	v6 =	vand.u32 $0x7F, v6;
	v7 =	vand.u32 $0xFFFFFC00, v7  }
0x81: {  	v6 =	vor.u32 v6, v7  }
0x82: {  	v6 =	vadd.s32 v1, v6;
	_ =	sdelay $0x4  }
0x83: {  	[tilespmem:v6+s14+$0x0] =	vst.idx.msk $0xffff, v0  }
0x84: {  	v6 =	vld [tilespmem:$0x10];
	_ =	sdelay $0x4  }
0x85: {  	v7 =	vshll.u32 v6, $0x3  }
0x86: {  	v6 =	vand.u32 $0x7F, v6;
	v7 =	vand.u32 $0xFFFFFC00, v7  }
0x87: {  	v6 =	vor.u32 v6, v7  }
0x88: {  	v6 =	vadd.s32 v3, v6;
	_ =	sdelay $0x4  }
0x89: {  	[tilespmem:v6+s14+$0x0] =	vst.idx.msk $0xffff, v0  }
0x8a: {  	v6 =	vld [tilespmem:$0x20];
	_ =	sdelay $0x4  }
0x8b: {  	v7 =	vshll.u32 v6, $0x3  }
0x8c: {  	v6 =	vand.u32 $0x7F, v6;
	v7 =	vand.u32 $0xFFFFFC00, v7  }
0x8d: {  	v6 =	vor.u32 v6, v7  }
0x8e: {  	v6 =	vadd.s32 v4, v6;
	_ =	sdelay $0x4  }
0x8f: {  	[tilespmem:v6+s14+$0x0] =	vst.idx.msk $0xffff, v0  }
0x90: {  	v6 =	vld [tilespmem:$0x30];
	_ =	sdelay $0x4  }
0x91: {  	v7 =	vshll.u32 v6, $0x3  }
0x92: {  	v6 =	vand.u32 $0x7F, v6;
	v7 =	vand.u32 $0xFFFFFC00, v7  }
0x93: {  	v6 =	vor.u32 v6, v7  }
0x94: {  	v6 =	vadd.s32 v5, v6;
	_ =	sdelay $0x4  }
0x95: {  	[tilespmem:v6+s14+$0x0] =	vst.idx.msk $0xffff, v0  }
0x96: {  	v6 =	vld [tilespmem:$0x40];
	_ =	sdelay $0x4  }
0x97: {  	v7 =	vshll.u32 v6, $0x3  }
0x98: {  	v6 =	vand.u32 $0x7F, v6;
	v7 =	vand.u32 $0xFFFFFC00, v7  }
0x99: {  	v6 =	vor.u32 v6, v7  }
0x9a: {  	v6 =	vadd.s32 v1, v6;
	_ =	sdelay $0x4  }
0x9b: {  	[tilespmem:v6+s14+$0x0] =	vst.idx.msk $0xffff, v2  }
0x9c: {  	v6 =	vld [tilespmem:$0x50];
	_ =	sdelay $0x4  }
0x9d: {  	v7 =	vshll.u32 v6, $0x3  }
0x9e: {  	v6 =	vand.u32 $0x7F, v6;
	v7 =	vand.u32 $0xFFFFFC00, v7  }
0x9f: {  	v6 =	vor.u32 v6, v7  }
0xa0: {  	v6 =	vadd.s32 v3, v6;
	_ =	sdelay $0x4  }
0xa1: {  	[tilespmem:v6+s14+$0x0] =	vst.idx.msk $0xffff, v2  }
0xa2: {  	v6 =	vld [tilespmem:$0x60];
	_ =	sdelay $0x4  }
0xa3: {  	v7 =	vshll.u32 v6, $0x3  }
0xa4: {  	v6 =	vand.u32 $0x7F, v6;
	v7 =	vand.u32 $0xFFFFFC00, v7  }
0xa5: {  	v6 =	vor.u32 v6, v7  }
0xa6: {  	v6 =	vadd.s32 v4, v6;
	_ =	sdelay $0x4  }
0xa7: {  	[tilespmem:v6+s14+$0x0] =	vst.idx.msk $0xffff, v2  }
0xa8: {  	v6 =	vld [tilespmem:$0x70];
	_ =	sdelay $0x4  }
0xa9: {  	v7 =	vshll.u32 v6, $0x3  }
0xaa: {  	v6 =	vand.u32 $0x7F, v6;
	v7 =	vand.u32 $0xFFFFFC00, v7  }
0xab: {  	v6 =	vor.u32 v6, v7  }
0xac: {  	v6 =	vadd.s32 v5, v6;
	_ =	sdelay $0x4  }
0xad: {  	[tilespmem:v6+s14+$0x0] =	vst.idx.msk $0xffff, v2  }
0xae: {  	[hbm4b:s5+s2] =	stream.linear.scatter [tilespmem:s14], [sflag:$0x1], $0x10000, $0x38;
	[tilespmem:$0x10200] =	vst v63  }
0xaf: {  	_ =	swait.ge [sflag:s13], $0x10000  }
0xb0: {  	[sflag:s13] =	ssyncset.done $0x0  }
0xb1: {  	[sflag:s13] =	ssyncadd.s32 $0xFFFF0000  }
0xb2: {  	v6 =	vld [tilespmem:$0x40];
	_ =	sdelay $0x4  }
0xb3: {  	v7 =	vshll.u32 v6, $0x3  }
0xb4: {  	v6 =	vand.u32 $0x7F, v6;
	v7 =	vand.u32 $0xFFFFFC00, v7  }
0xb5: {  	v6 =	vor.u32 v6, v7  }
0xb6: {  	v6 =	vadd.s32 v1, v6;
	_ =	sdelay $0x4  }
0xb7: {  	[tilespmem:v6+s14+$0x0] =	vst.idx.msk $0xffff, v0  }
0xb8: {  	v6 =	vld [tilespmem:$0x50];
	_ =	sdelay $0x4  }
0xb9: {  	v7 =	vshll.u32 v6, $0x3  }
0xba: {  	v6 =	vand.u32 $0x7F, v6;
	v7 =	vand.u32 $0xFFFFFC00, v7  }
0xbb: {  	v6 =	vor.u32 v6, v7  }
0xbc: {  	v6 =	vadd.s32 v3, v6;
	_ =	sdelay $0x4  }
0xbd: {  	[tilespmem:v6+s14+$0x0] =	vst.idx.msk $0xffff, v0  }
0xbe: {  	v6 =	vld [tilespmem:$0x60];
	_ =	sdelay $0x4  }
0xbf: {  	v7 =	vshll.u32 v6, $0x3  }
0xc0: {  	v6 =	vand.u32 $0x7F, v6;
	v7 =	vand.u32 $0xFFFFFC00, v7  }
0xc1: {  	v6 =	vor.u32 v6, v7  }
0xc2: {  	v6 =	vadd.s32 v4, v6;
	_ =	sdelay $0x4  }
0xc3: {  	[tilespmem:v6+s14+$0x0] =	vst.idx.msk $0xffff, v0  }
0xc4: {  	v6 =	vld [tilespmem:$0x70];
	_ =	sdelay $0x4  }
0xc5: {  	v7 =	vshll.u32 v6, $0x3  }
0xc6: {  	v6 =	vand.u32 $0x7F, v6;
	v7 =	vand.u32 $0xFFFFFC00, v7  }
0xc7: {  	v6 =	vor.u32 v6, v7  }
0xc8: {  	v6 =	vadd.s32 v5, v6;
	_ =	sdelay $0x4  }
0xc9: {  	[tilespmem:v6+s14+$0x0] =	vst.idx.msk $0xffff, v0  }
0xca: {  	v6 =	vld [tilespmem:$0x80];
	_ =	sdelay $0x4  }
0xcb: {  	v7 =	vshll.u32 v6, $0x3  }
0xcc: {  	v6 =	vand.u32 $0x7F, v6;
	v7 =	vand.u32 $0xFFFFFC00, v7  }
0xcd: {  	v6 =	vor.u32 v6, v7  }
0xce: {  	v6 =	vadd.s32 v1, v6;
	_ =	sdelay $0x4  }
0xcf: {  	[tilespmem:v6+s14+$0x0] =	vst.idx.msk $0xffff, v2  }
0xd0: {  	v6 =	vld [tilespmem:$0x90];
	_ =	sdelay $0x4  }
0xd1: {  	v7 =	vshll.u32 v6, $0x3  }
0xd2: {  	v6 =	vand.u32 $0x7F, v6;
	v7 =	vand.u32 $0xFFFFFC00, v7  }
0xd3: {  	v6 =	vor.u32 v6, v7  }
0xd4: {  	v6 =	vadd.s32 v3, v6;
	_ =	sdelay $0x4  }
0xd5: {  	[tilespmem:v6+s14+$0x0] =	vst.idx.msk $0xffff, v2  }
0xd6: {  	v6 =	vld [tilespmem:$0xA0];
	_ =	sdelay $0x4  }
0xd7: {  	v7 =	vshll.u32 v6, $0x3  }
0xd8: {  	v6 =	vand.u32 $0x7F, v6;
	v7 =	vand.u32 $0xFFFFFC00, v7  }
0xd9: {  	v6 =	vor.u32 v6, v7  }
0xda: {  	v6 =	vadd.s32 v4, v6;
	_ =	sdelay $0x4  }
0xdb: {  	[tilespmem:v6+s14+$0x0] =	vst.idx.msk $0xffff, v2  }
0xdc: {  	v6 =	vld [tilespmem:$0xB0];
	_ =	sdelay $0x4  }
0xdd: {  	v7 =	vshll.u32 v6, $0x3  }
0xde: {  	v6 =	vand.u32 $0x7F, v6;
	v7 =	vand.u32 $0xFFFFFC00, v7  }
0xdf: {  	v6 =	vor.u32 v6, v7  }
0xe0: {  	v6 =	vadd.s32 v5, v6;
	_ =	sdelay $0x4  }
0xe1: {  	[tilespmem:v6+s14+$0x0] =	vst.idx.msk $0xffff, v2  }
0xe2: {  	[hbm4b:s6+s2] =	stream.linear.scatter [tilespmem:s14], [sflag:$0x1], $0x10000, $0x38;
	[tilespmem:$0x10200] =	vst v63  }
0xe3: {  	_ =	swait.ge [sflag:s13], $0x10000  }
0xe4: {  	[sflag:s13] =	ssyncset.done $0x0  }
0xe5: {  	[sflag:s13] =	ssyncadd.s32 $0xFFFF0000  }
0xe6: {  	v6 =	vld [tilespmem:$0x80];
	_ =	sdelay $0x4  }
0xe7: {  	v7 =	vshll.u32 v6, $0x3  }
0xe8: {  	v6 =	vand.u32 $0x7F, v6;
	v7 =	vand.u32 $0xFFFFFC00, v7  }
0xe9: {  	v6 =	vor.u32 v6, v7  }
0xea: {  	v6 =	vadd.s32 v1, v6;
	_ =	sdelay $0x4  }
0xeb: {  	[tilespmem:v6+s14+$0x0] =	vst.idx.msk $0xffff, v0  }
0xec: {  	v6 =	vld [tilespmem:$0x90];
	_ =	sdelay $0x4  }
0xed: {  	v7 =	vshll.u32 v6, $0x3  }
0xee: {  	v6 =	vand.u32 $0x7F, v6;
	v7 =	vand.u32 $0xFFFFFC00, v7  }
0xef: {  	v6 =	vor.u32 v6, v7  }
0xf0: {  	v6 =	vadd.s32 v3, v6;
	_ =	sdelay $0x4  }
0xf1: {  	[tilespmem:v6+s14+$0x0] =	vst.idx.msk $0xffff, v0  }
0xf2: {  	v6 =	vld [tilespmem:$0xA0];
	_ =	sdelay $0x4  }
0xf3: {  	v7 =	vshll.u32 v6, $0x3  }
0xf4: {  	v6 =	vand.u32 $0x7F, v6;
	v7 =	vand.u32 $0xFFFFFC00, v7  }
0xf5: {  	v6 =	vor.u32 v6, v7  }
0xf6: {  	v6 =	vadd.s32 v4, v6;
	_ =	sdelay $0x4  }
0xf7: {  	[tilespmem:v6+s14+$0x0] =	vst.idx.msk $0xffff, v0  }
0xf8: {  	v6 =	vld [tilespmem:$0xB0];
	_ =	sdelay $0x4  }
0xf9: {  	v7 =	vshll.u32 v6, $0x3  }
0xfa: {  	v6 =	vand.u32 $0x7F, v6;
	v7 =	vand.u32 $0xFFFFFC00, v7  }
0xfb: {  	v6 =	vor.u32 v6, v7  }
0xfc: {  	v6 =	vadd.s32 v5, v6;
	_ =	sdelay $0x4  }
0xfd: {  	[tilespmem:v6+s14+$0x0] =	vst.idx.msk $0xffff, v0  }
0xfe: {  	v6 =	vld [tilespmem:$0xC0];
	_ =	sdelay $0x4  }
0xff: {  	v7 =	vshll.u32 v6, $0x3  }
0x100: {  	v6 =	vand.u32 $0x7F, v6;
	v7 =	vand.u32 $0xFFFFFC00, v7  }
0x101: {  	v6 =	vor.u32 v6, v7  }
0x102: {  	v6 =	vadd.s32 v1, v6;
	_ =	sdelay $0x4  }
0x103: {  	[tilespmem:v6+s14+$0x0] =	vst.idx.msk $0xffff, v2  }
0x104: {  	v6 =	vld [tilespmem:$0xD0];
	_ =	sdelay $0x4  }
0x105: {  	v7 =	vshll.u32 v6, $0x3  }
0x106: {  	v6 =	vand.u32 $0x7F, v6;
	v7 =	vand.u32 $0xFFFFFC00, v7  }
0x107: {  	v6 =	vor.u32 v6, v7  }
0x108: {  	v6 =	vadd.s32 v3, v6;
	_ =	sdelay $0x4  }
0x109: {  	[tilespmem:v6+s14+$0x0] =	vst.idx.msk $0xffff, v2  }
0x10a: {  	v6 =	vld [tilespmem:$0xE0];
	_ =	sdelay $0x4  }
0x10b: {  	v7 =	vshll.u32 v6, $0x3  }
0x10c: {  	v6 =	vand.u32 $0x7F, v6;
	v7 =	vand.u32 $0xFFFFFC00, v7  }
0x10d: {  	v6 =	vor.u32 v6, v7  }
0x10e: {  	v6 =	vadd.s32 v4, v6;
	_ =	sdelay $0x4  }
0x10f: {  	[tilespmem:v6+s14+$0x0] =	vst.idx.msk $0xffff, v2  }
0x110: {  	v6 =	vld [tilespmem:$0xF0];
	_ =	sdelay $0x4  }
0x111: {  	v7 =	vshll.u32 v6, $0x3  }
0x112: {  	v6 =	vand.u32 $0x7F, v6;
	v7 =	vand.u32 $0xFFFFFC00, v7  }
0x113: {  	v6 =	vor.u32 v6, v7  }
0x114: {  	v6 =	vadd.s32 v5, v6;
	_ =	sdelay $0x4  }
0x115: {  	[tilespmem:v6+s14+$0x0] =	vst.idx.msk $0xffff, v2  }
0x116: {  	[hbm4b:s7+s2] =	stream.linear.scatter [tilespmem:s14], [sflag:$0x1], $0x10000, $0x38;
	[tilespmem:$0x10200] =	vst v63  }
0x117: {  	_ =	swait.ge [sflag:s13], $0x10000  }
0x118: {  	[sflag:s13] =	ssyncset.done $0x0  }
0x119: {  	[sflag:s13] =	ssyncadd.s32 $0xFFFF0000  }
0x11a: {  	v6 =	vld [tilespmem:$0xC0];
	_ =	sdelay $0x4  }
0x11b: {  	v7 =	vshll.u32 v6, $0x3  }
0x11c: {  	v6 =	vand.u32 $0x7F, v6;
	v7 =	vand.u32 $0xFFFFFC00, v7  }
0x11d: {  	v6 =	vor.u32 v6, v7  }
0x11e: {  	v6 =	vadd.s32 v1, v6;
	_ =	sdelay $0x4  }
0x11f: {  	[tilespmem:v6+s14+$0x0] =	vst.idx.msk $0xffff, v0  }
0x120: {  	v6 =	vld [tilespmem:$0xD0];
	_ =	sdelay $0x4  }
0x121: {  	v7 =	vshll.u32 v6, $0x3  }
0x122: {  	v6 =	vand.u32 $0x7F, v6;
	v7 =	vand.u32 $0xFFFFFC00, v7  }
0x123: {  	v6 =	vor.u32 v6, v7  }
0x124: {  	v6 =	vadd.s32 v3, v6;
	_ =	sdelay $0x4  }
0x125: {  	[tilespmem:v6+s14+$0x0] =	vst.idx.msk $0xffff, v0  }
0x126: {  	v6 =	vld [tilespmem:$0xE0];
	_ =	sdelay $0x4  }
0x127: {  	v7 =	vshll.u32 v6, $0x3  }
0x128: {  	v6 =	vand.u32 $0x7F, v6;
	v7 =	vand.u32 $0xFFFFFC00, v7  }
0x129: {  	v6 =	vor.u32 v6, v7  }
0x12a: {  	v6 =	vadd.s32 v4, v6;
	_ =	sdelay $0x4  }
0x12b: {  	[tilespmem:v6+s14+$0x0] =	vst.idx.msk $0xffff, v0  }
0x12c: {  	v6 =	vld [tilespmem:$0xF0];
	_ =	sdelay $0x4  }
0x12d: {  	v7 =	vshll.u32 v6, $0x3  }
0x12e: {  	v6 =	vand.u32 $0x7F, v6;
	v7 =	vand.u32 $0xFFFFFC00, v7  }
0x12f: {  	v6 =	vor.u32 v6, v7  }
0x130: {  	v6 =	vadd.s32 v5, v6;
	_ =	sdelay $0x4  }
0x131: {  	[tilespmem:v6+s14+$0x0] =	vst.idx.msk $0xffff, v0  }
0x132: {  	v6 =	vld [tilespmem:$0x100];
	_ =	sdelay $0x4  }
0x133: {  	v7 =	vshll.u32 v6, $0x3  }
0x134: {  	v6 =	vand.u32 $0x7F, v6;
	v7 =	vand.u32 $0xFFFFFC00, v7  }
0x135: {  	v6 =	vor.u32 v6, v7  }
0x136: {  	v6 =	vadd.s32 v1, v6;
	_ =	sdelay $0x4  }
0x137: {  	[tilespmem:v6+s14+$0x0] =	vst.idx.msk $0xffff, v2  }
0x138: {  	v6 =	vld [tilespmem:$0x110];
	_ =	sdelay $0x4  }
0x139: {  	v7 =	vshll.u32 v6, $0x3  }
0x13a: {  	v6 =	vand.u32 $0x7F, v6;
	v7 =	vand.u32 $0xFFFFFC00, v7  }
0x13b: {  	v6 =	vor.u32 v6, v7  }
0x13c: {  	v6 =	vadd.s32 v3, v6;
	_ =	sdelay $0x4  }
0x13d: {  	[tilespmem:v6+s14+$0x0] =	vst.idx.msk $0xffff, v2  }
0x13e: {  	v6 =	vld [tilespmem:$0x120];
	_ =	sdelay $0x4  }
0x13f: {  	v7 =	vshll.u32 v6, $0x3  }
0x140: {  	v6 =	vand.u32 $0x7F, v6;
	v7 =	vand.u32 $0xFFFFFC00, v7  }
0x141: {  	v6 =	vor.u32 v6, v7  }
0x142: {  	v6 =	vadd.s32 v4, v6;
	_ =	sdelay $0x4  }
0x143: {  	[tilespmem:v6+s14+$0x0] =	vst.idx.msk $0xffff, v2  }
0x144: {  	v6 =	vld [tilespmem:$0x130];
	_ =	sdelay $0x4  }
0x145: {  	v7 =	vshll.u32 v6, $0x3  }
0x146: {  	v6 =	vand.u32 $0x7F, v6;
	v7 =	vand.u32 $0xFFFFFC00, v7  }
0x147: {  	v6 =	vor.u32 v6, v7  }
0x148: {  	v6 =	vadd.s32 v5, v6;
	_ =	sdelay $0x4  }
0x149: {  	[tilespmem:v6+s14+$0x0] =	vst.idx.msk $0xffff, v2  }
0x14a: {  	[hbm4b:s8+s2] =	stream.linear.scatter [tilespmem:s14], [sflag:$0x1], $0x10000, $0x38;
	[tilespmem:$0x10200] =	vst v63  }
0x14b: {  	_ =	swait.ge [sflag:s13], $0x10000  }
0x14c: {  	[sflag:s13] =	ssyncset.done $0x0  }
0x14d: {  	[sflag:s13] =	ssyncadd.s32 $0xFFFF0000  }
0x14e: {  	v6 =	vld [tilespmem:$0x100];
	_ =	sdelay $0x4  }
0x14f: {  	v7 =	vshll.u32 v6, $0x3  }
0x150: {  	v6 =	vand.u32 $0x7F, v6;
	v7 =	vand.u32 $0xFFFFFC00, v7  }
0x151: {  	v6 =	vor.u32 v6, v7  }
0x152: {  	v6 =	vadd.s32 v1, v6;
	_ =	sdelay $0x4  }
0x153: {  	[tilespmem:v6+s14+$0x0] =	vst.idx.msk $0xffff, v0  }
0x154: {  	v6 =	vld [tilespmem:$0x110];
	_ =	sdelay $0x4  }
0x155: {  	v7 =	vshll.u32 v6, $0x3  }
0x156: {  	v6 =	vand.u32 $0x7F, v6;
	v7 =	vand.u32 $0xFFFFFC00, v7  }
0x157: {  	v6 =	vor.u32 v6, v7  }
0x158: {  	v6 =	vadd.s32 v3, v6;
	_ =	sdelay $0x4  }
0x159: {  	[tilespmem:v6+s14+$0x0] =	vst.idx.msk $0xffff, v0  }
0x15a: {  	v6 =	vld [tilespmem:$0x120];
	_ =	sdelay $0x4  }
0x15b: {  	v7 =	vshll.u32 v6, $0x3  }
0x15c: {  	v6 =	vand.u32 $0x7F, v6;
	v7 =	vand.u32 $0xFFFFFC00, v7  }
0x15d: {  	v6 =	vor.u32 v6, v7  }
0x15e: {  	v6 =	vadd.s32 v4, v6;
	_ =	sdelay $0x4  }
0x15f: {  	[tilespmem:v6+s14+$0x0] =	vst.idx.msk $0xffff, v0  }
0x160: {  	v6 =	vld [tilespmem:$0x130];
	_ =	sdelay $0x4  }
0x161: {  	v7 =	vshll.u32 v6, $0x3  }
0x162: {  	v6 =	vand.u32 $0x7F, v6;
	v7 =	vand.u32 $0xFFFFFC00, v7  }
0x163: {  	v6 =	vor.u32 v6, v7  }
0x164: {  	v6 =	vadd.s32 v5, v6;
	_ =	sdelay $0x4  }
0x165: {  	[tilespmem:v6+s14+$0x0] =	vst.idx.msk $0xffff, v0  }
0x166: {  	v6 =	vld [tilespmem:$0x140];
	_ =	sdelay $0x4  }
0x167: {  	v7 =	vshll.u32 v6, $0x3  }
0x168: {  	v6 =	vand.u32 $0x7F, v6;
	v7 =	vand.u32 $0xFFFFFC00, v7  }
0x169: {  	v6 =	vor.u32 v6, v7  }
0x16a: {  	v6 =	vadd.s32 v1, v6;
	_ =	sdelay $0x4  }
0x16b: {  	[tilespmem:v6+s14+$0x0] =	vst.idx.msk $0xffff, v2  }
0x16c: {  	v6 =	vld [tilespmem:$0x150];
	_ =	sdelay $0x4  }
0x16d: {  	v7 =	vshll.u32 v6, $0x3  }
0x16e: {  	v6 =	vand.u32 $0x7F, v6;
	v7 =	vand.u32 $0xFFFFFC00, v7  }
0x16f: {  	v6 =	vor.u32 v6, v7  }
0x170: {  	v6 =	vadd.s32 v3, v6;
	_ =	sdelay $0x4  }
0x171: {  	[tilespmem:v6+s14+$0x0] =	vst.idx.msk $0xffff, v2  }
0x172: {  	v6 =	vld [tilespmem:$0x160];
	_ =	sdelay $0x4  }
0x173: {  	v7 =	vshll.u32 v6, $0x3  }
0x174: {  	v6 =	vand.u32 $0x7F, v6;
	v7 =	vand.u32 $0xFFFFFC00, v7  }
0x175: {  	v6 =	vor.u32 v6, v7  }
0x176: {  	v6 =	vadd.s32 v4, v6;
	_ =	sdelay $0x4  }
0x177: {  	[tilespmem:v6+s14+$0x0] =	vst.idx.msk $0xffff, v2  }
0x178: {  	v6 =	vld [tilespmem:$0x170];
	_ =	sdelay $0x4  }
0x179: {  	v7 =	vshll.u32 v6, $0x3  }
0x17a: {  	v6 =	vand.u32 $0x7F, v6;
	v7 =	vand.u32 $0xFFFFFC00, v7  }
0x17b: {  	v6 =	vor.u32 v6, v7  }
0x17c: {  	v6 =	vadd.s32 v5, v6;
	_ =	sdelay $0x4  }
0x17d: {  	[tilespmem:v6+s14+$0x0] =	vst.idx.msk $0xffff, v2  }
0x17e: {  	[hbm4b:s9+s2] =	stream.linear.scatter [tilespmem:s14], [sflag:$0x1], $0x10000, $0x38;
	[tilespmem:$0x10200] =	vst v63  }
0x17f: {  	_ =	swait.ge [sflag:s13], $0x10000  }
0x180: {  	[sflag:s13] =	ssyncset.done $0x0  }
0x181: {  	[sflag:s13] =	ssyncadd.s32 $0xFFFF0000  }
0x182: {  	v6 =	vld [tilespmem:$0x140];
	_ =	sdelay $0x4  }
0x183: {  	v7 =	vshll.u32 v6, $0x3  }
0x184: {  	v6 =	vand.u32 $0x7F, v6;
	v7 =	vand.u32 $0xFFFFFC00, v7  }
0x185: {  	v6 =	vor.u32 v6, v7  }
0x186: {  	v6 =	vadd.s32 v1, v6;
	_ =	sdelay $0x4  }
0x187: {  	[tilespmem:v6+s14+$0x0] =	vst.idx.msk $0xffff, v0  }
0x188: {  	v6 =	vld [tilespmem:$0x150];
	_ =	sdelay $0x4  }
0x189: {  	v7 =	vshll.u32 v6, $0x3  }
0x18a: {  	v6 =	vand.u32 $0x7F, v6;
	v7 =	vand.u32 $0xFFFFFC00, v7  }
0x18b: {  	v6 =	vor.u32 v6, v7  }
0x18c: {  	v6 =	vadd.s32 v3, v6;
	_ =	sdelay $0x4  }
0x18d: {  	[tilespmem:v6+s14+$0x0] =	vst.idx.msk $0xffff, v0  }
0x18e: {  	v6 =	vld [tilespmem:$0x160];
	_ =	sdelay $0x4  }
0x18f: {  	v7 =	vshll.u32 v6, $0x3  }
0x190: {  	v6 =	vand.u32 $0x7F, v6;
	v7 =	vand.u32 $0xFFFFFC00, v7  }
0x191: {  	v6 =	vor.u32 v6, v7  }
0x192: {  	v6 =	vadd.s32 v4, v6;
	_ =	sdelay $0x4  }
0x193: {  	[tilespmem:v6+s14+$0x0] =	vst.idx.msk $0xffff, v0  }
0x194: {  	v6 =	vld [tilespmem:$0x170];
	_ =	sdelay $0x4  }
0x195: {  	v7 =	vshll.u32 v6, $0x3  }
0x196: {  	v6 =	vand.u32 $0x7F, v6;
	v7 =	vand.u32 $0xFFFFFC00, v7  }
0x197: {  	v6 =	vor.u32 v6, v7  }
0x198: {  	v6 =	vadd.s32 v5, v6;
	_ =	sdelay $0x4  }
0x199: {  	[tilespmem:v6+s14+$0x0] =	vst.idx.msk $0xffff, v0  }
0x19a: {  	v6 =	vld [tilespmem:$0x180];
	_ =	sdelay $0x4  }
0x19b: {  	v7 =	vshll.u32 v6, $0x3  }
0x19c: {  	v6 =	vand.u32 $0x7F, v6;
	v7 =	vand.u32 $0xFFFFFC00, v7  }
0x19d: {  	v6 =	vor.u32 v6, v7  }
0x19e: {  	v6 =	vadd.s32 v1, v6;
	_ =	sdelay $0x4  }
0x19f: {  	[tilespmem:v6+s14+$0x0] =	vst.idx.msk $0xffff, v2  }
0x1a0: {  	v6 =	vld [tilespmem:$0x190];
	_ =	sdelay $0x4  }
0x1a1: {  	v7 =	vshll.u32 v6, $0x3  }
0x1a2: {  	v6 =	vand.u32 $0x7F, v6;
	v7 =	vand.u32 $0xFFFFFC00, v7  }
0x1a3: {  	v6 =	vor.u32 v6, v7  }
0x1a4: {  	v6 =	vadd.s32 v3, v6;
	_ =	sdelay $0x4  }
0x1a5: {  	[tilespmem:v6+s14+$0x0] =	vst.idx.msk $0xffff, v2  }
0x1a6: {  	v6 =	vld [tilespmem:$0x1A0];
	_ =	sdelay $0x4  }
0x1a7: {  	v7 =	vshll.u32 v6, $0x3  }
0x1a8: {  	v6 =	vand.u32 $0x7F, v6;
	v7 =	vand.u32 $0xFFFFFC00, v7  }
0x1a9: {  	v6 =	vor.u32 v6, v7  }
0x1aa: {  	v6 =	vadd.s32 v4, v6;
	_ =	sdelay $0x4  }
0x1ab: {  	[tilespmem:v6+s14+$0x0] =	vst.idx.msk $0xffff, v2  }
0x1ac: {  	v6 =	vld [tilespmem:$0x1B0];
	_ =	sdelay $0x4  }
0x1ad: {  	v7 =	vshll.u32 v6, $0x3  }
0x1ae: {  	v6 =	vand.u32 $0x7F, v6;
	v7 =	vand.u32 $0xFFFFFC00, v7  }
0x1af: {  	v6 =	vor.u32 v6, v7  }
0x1b0: {  	v6 =	vadd.s32 v5, v6;
	_ =	sdelay $0x4  }
0x1b1: {  	[tilespmem:v6+s14+$0x0] =	vst.idx.msk $0xffff, v2  }
0x1b2: {  	[hbm4b:s10+s2] =	stream.linear.scatter [tilespmem:s14], [sflag:$0x1], $0x10000, $0x38;
	[tilespmem:$0x10200] =	vst v63  }
0x1b3: {  	_ =	swait.ge [sflag:s13], $0x10000  }
0x1b4: {  	[sflag:s13] =	ssyncset.done $0x0  }
0x1b5: {  	[sflag:s13] =	ssyncadd.s32 $0xFFFF0000  }
0x1b6: {  	v6 =	vld [tilespmem:$0x180];
	_ =	sdelay $0x4  }
0x1b7: {  	v7 =	vshll.u32 v6, $0x3  }
0x1b8: {  	v6 =	vand.u32 $0x7F, v6;
	v7 =	vand.u32 $0xFFFFFC00, v7  }
0x1b9: {  	v6 =	vor.u32 v6, v7  }
0x1ba: {  	v6 =	vadd.s32 v1, v6;
	_ =	sdelay $0x4  }
0x1bb: {  	[tilespmem:v6+s14+$0x0] =	vst.idx.msk $0xffff, v0  }
0x1bc: {  	v6 =	vld [tilespmem:$0x190];
	_ =	sdelay $0x4  }
0x1bd: {  	v7 =	vshll.u32 v6, $0x3  }
0x1be: {  	v6 =	vand.u32 $0x7F, v6;
	v7 =	vand.u32 $0xFFFFFC00, v7  }
0x1bf: {  	v6 =	vor.u32 v6, v7  }
0x1c0: {  	v6 =	vadd.s32 v3, v6;
	_ =	sdelay $0x4  }
0x1c1: {  	[tilespmem:v6+s14+$0x0] =	vst.idx.msk $0xffff, v0  }
0x1c2: {  	v6 =	vld [tilespmem:$0x1A0];
	_ =	sdelay $0x4  }
0x1c3: {  	v7 =	vshll.u32 v6, $0x3  }
0x1c4: {  	v6 =	vand.u32 $0x7F, v6;
	v7 =	vand.u32 $0xFFFFFC00, v7  }
0x1c5: {  	v6 =	vor.u32 v6, v7  }
0x1c6: {  	v6 =	vadd.s32 v4, v6;
	_ =	sdelay $0x4  }
0x1c7: {  	[tilespmem:v6+s14+$0x0] =	vst.idx.msk $0xffff, v0  }
0x1c8: {  	v6 =	vld [tilespmem:$0x1B0];
	_ =	sdelay $0x4  }
0x1c9: {  	v7 =	vshll.u32 v6, $0x3  }
0x1ca: {  	v6 =	vand.u32 $0x7F, v6;
	v7 =	vand.u32 $0xFFFFFC00, v7  }
0x1cb: {  	v6 =	vor.u32 v6, v7  }
0x1cc: {  	v6 =	vadd.s32 v5, v6;
	_ =	sdelay $0x4  }
0x1cd: {  	[tilespmem:v6+s14+$0x0] =	vst.idx.msk $0xffff, v0  }
0x1ce: {  	v6 =	vld [tilespmem:$0x1C0];
	_ =	sdelay $0x4  }
0x1cf: {  	v7 =	vshll.u32 v6, $0x3  }
0x1d0: {  	v6 =	vand.u32 $0x7F, v6;
	v7 =	vand.u32 $0xFFFFFC00, v7  }
0x1d1: {  	v6 =	vor.u32 v6, v7  }
0x1d2: {  	v6 =	vadd.s32 v1, v6;
	_ =	sdelay $0x4  }
0x1d3: {  	[tilespmem:v6+s14+$0x0] =	vst.idx.msk $0xffff, v2  }
0x1d4: {  	v6 =	vld [tilespmem:$0x1D0];
	_ =	sdelay $0x4  }
0x1d5: {  	v7 =	vshll.u32 v6, $0x3  }
0x1d6: {  	v6 =	vand.u32 $0x7F, v6;
	v7 =	vand.u32 $0xFFFFFC00, v7  }
0x1d7: {  	v6 =	vor.u32 v6, v7  }
0x1d8: {  	v6 =	vadd.s32 v3, v6;
	_ =	sdelay $0x4  }
0x1d9: {  	[tilespmem:v6+s14+$0x0] =	vst.idx.msk $0xffff, v2  }
0x1da: {  	v6 =	vld [tilespmem:$0x1E0];
	_ =	sdelay $0x4  }
0x1db: {  	v7 =	vshll.u32 v6, $0x3  }
0x1dc: {  	v6 =	vand.u32 $0x7F, v6;
	v7 =	vand.u32 $0xFFFFFC00, v7  }
0x1dd: {  	v6 =	vor.u32 v6, v7  }
0x1de: {  	v6 =	vadd.s32 v4, v6;
	_ =	sdelay $0x4  }
0x1df: {  	[tilespmem:v6+s14+$0x0] =	vst.idx.msk $0xffff, v2  }
0x1e0: {  	v6 =	vld [tilespmem:$0x1F0];
	_ =	sdelay $0x4  }
0x1e1: {  	v7 =	vshll.u32 v6, $0x3  }
0x1e2: {  	v6 =	vand.u32 $0x7F, v6;
	v7 =	vand.u32 $0xFFFFFC00, v7  }
0x1e3: {  	v6 =	vor.u32 v6, v7  }
0x1e4: {  	v6 =	vadd.s32 v5, v6;
	_ =	sdelay $0x4  }
0x1e5: {  	[tilespmem:v6+s14+$0x0] =	vst.idx.msk $0xffff, v2  }
0x1e6: {  	[hbm4b:s11+s2] =	stream.linear.scatter [tilespmem:s14], [sflag:$0x1], $0x10000, $0x38;
	[tilespmem:$0x10200] =	vst v63  }
0x1e7: {  	_ =	swait.ge [sflag:s13], $0x10000  }
0x1e8: {  	[sflag:s13] =	ssyncset.done $0x0  }
0x1e9: {  	[sflag:s13] =	ssyncadd.s32 $0xFFFF0000  }
0x1ea: {  	v6 =	vld [tilespmem:$0x1C0];
	_ =	sdelay $0x4  }
0x1eb: {  	v7 =	vshll.u32 v6, $0x3  }
0x1ec: {  	v6 =	vand.u32 $0x7F, v6;
	v7 =	vand.u32 $0xFFFFFC00, v7  }
0x1ed: {  	v6 =	vor.u32 v6, v7  }
0x1ee: {  	v6 =	vadd.s32 v1, v6;
	_ =	sdelay $0x4  }
0x1ef: {  	[tilespmem:v6+s14+$0x0] =	vst.idx.msk $0xffff, v0  }
0x1f0: {  	v6 =	vld [tilespmem:$0x1D0];
	_ =	sdelay $0x4  }
0x1f1: {  	v7 =	vshll.u32 v6, $0x3  }
0x1f2: {  	v6 =	vand.u32 $0x7F, v6;
	v7 =	vand.u32 $0xFFFFFC00, v7  }
0x1f3: {  	v6 =	vor.u32 v6, v7  }
0x1f4: {  	v6 =	vadd.s32 v3, v6;
	_ =	sdelay $0x4  }
0x1f5: {  	[tilespmem:v6+s14+$0x0] =	vst.idx.msk $0xffff, v0  }
0x1f6: {  	v6 =	vld [tilespmem:$0x1E0];
	_ =	sdelay $0x4  }
0x1f7: {  	v7 =	vshll.u32 v6, $0x3  }
0x1f8: {  	v6 =	vand.u32 $0x7F, v6;
	v7 =	vand.u32 $0xFFFFFC00, v7  }
0x1f9: {  	v6 =	vor.u32 v6, v7  }
0x1fa: {  	v6 =	vadd.s32 v4, v6;
	_ =	sdelay $0x4  }
0x1fb: {  	[tilespmem:v6+s14+$0x0] =	vst.idx.msk $0xffff, v0  }
0x1fc: {  	v6 =	vld [tilespmem:$0x1F0];
	_ =	sdelay $0x4  }
0x1fd: {  	v7 =	vshll.u32 v6, $0x3  }
0x1fe: {  	v6 =	vand.u32 $0x7F, v6;
	v7 =	vand.u32 $0xFFFFFC00, v7  }
0x1ff: {  	s15 =	sadd.s32 $0x1, s15;
	v6 =	vor.u32 v6, v7  }
0x200: {  	p0 =	sne.s32 s15, s12;
	v6 =	vadd.s32 v5, v6  }
.Ltmp1:
0x201: {  	_ = 	snop;
	(pc) =	sbr.rel @p0 .LBB2_1-.Ltmp1, $2  }
0x202: {  	_ =	sdelay $0x2  }
0x203: {  	[tilespmem:v6+s14+$0x0] =	vst.idx.msk $0xffff, v0  }
0x204: {  	_ =	sfence.sel $0x180000  }
0x205: {  	[bflag:$0x0] =	sbarrier.arrive $0xFFFF  }
0x206: {  	p0 =	sne.s32 s1, $0x0;
	_ =	strace $0x90000047  }
0x207: {  	s0 =	sadd.s32 @!p0 $0x100000, s0;
	[bflag:$0x2] =	sbarrier.arrive $0xFFFF  }
0x208: {  	[sflag:s0] =	ssyncadd.tile.s32 @!p0 $0x1;
	_ =	shalt  }
.Lfunc_end2:
_tile_overlayer_lowered:
.L_overlay_start_2:
0x209: {  	(tag) =	ssettag $0x2  }
0x20a: {  	s0 =	rddreg [dreg:$0x0];
	s2 =	stileid.u32  }
0x20b: {  	s1 =	rddreg [dreg:$0x1];
	p0 =	sne.s32 s2, $0x0  }
0x20c: {  	s3 =	rddreg [dreg:$0x2];
	[bflag:$0x3] =	sbarrier.arrive $0xFFFF;
	s2 =	simm.s32 @!p0 $0x1C01  }
0x20d: {  	[timem:s3], [sflag:s2] =	dma.local @!p0 [hbm:s0], s1  }
0x20e: {  	s0 =	simm.s32 @!p0 $0x1  }
0x20f: {  	_ =	swait.ge @!p0 [sflag:s0], s1  }
0x210: {  	s1 =	ssub.s32 @!p0 $0x0, s1;
	[sflag:s0] =	ssyncset.done @!p0 $0x0  }
0x211: {  	[sflag:s0] =	ssyncadd.s32 @!p0 s1  }
0x212: {  	[bflag:$0x3] =	sbarrier.arrive $0xFFFF  }
0x213: {  	_ =	shalt  }

</sc_bundles>
